<compile_context>
chip_gen: v7x
topology: tpu7x:2x2x1
jax: 0.10.2.dev20260603
libtpu: 0.0.44.dev20260713+nightly
codegen_flags: <defaults>
</compile_context>

<pallas_src>
import jax
import jax.numpy as jnp
from jax import lax
from jax.experimental import pallas as pl
from jax.experimental.pallas import tpu as pltpu
from jax.experimental.pallas import tpu_sc as plsc

D0, D1 = 192, 160
OUT0, OUT1 = 64, 32
FH, FW = 3, 5
L = 16
NUM_BINS = 32
NC, NS = 2, 16
GROUPS = 4
HSLOT = NUM_BINS * L


def _body(xx_hbm, out_hbm, buf, hist, outbuf):
    wid = lax.axis_index("s") * NC + lax.axis_index("c")
    n_in = 2 * FH * D1
    pltpu.sync_copy(xx_hbm.at[pl.ds(wid * n_in, n_in)], buf)

    lanes = lax.iota(jnp.int32, L)
    col0 = lanes * FW
    hit = jnp.full((L,), float(NUM_BINS), jnp.float32)
    lane_bias = lanes + L * L

    def group(g, carry):
        base = (g >> 1) * (FH * D1) + (g & 1) * (L * FW)
        basev = col0 + base
        idx0 = lane_bias
        for b in range(NUM_BINS):
            hist[pl.ds(L * b, L)] = jnp.full((L,), float(NUM_BINS - 1 - b),
                                             jnp.float32)
        for p in range(FH * FW):
            off = (p // FW) * D1 + (p % FW)
            x = plsc.load_gather(buf, [basev + off])
            y = jnp.minimum(jnp.maximum(x * 8.0, -16.0), 15.0)
            iy = y.astype(jnp.int32)
            q = iy + (iy.astype(jnp.float32) < y).astype(jnp.int32)
            plsc.addupdate_scatter(hist, [(q << 4) + idx0], hit)
        best = hist[pl.ds(0, L)]
        for b in range(1, NUM_BINS):
            best = jnp.maximum(best, hist[pl.ds(L * b, L)])
        mode = (NUM_BINS - 1) - (best.astype(jnp.int32) & (NUM_BINS - 1))
        outbuf[pl.ds(g * L, L)] = mode.astype(jnp.float32)
        return carry

    lax.fori_loop(0, GROUPS, group, 0)
    pltpu.sync_copy(outbuf, out_hbm.at[pl.ds(wid * 2 * OUT1, 2 * OUT1)])


_hist_call = pl.kernel(
    _body,
    out_type=jax.ShapeDtypeStruct((OUT0 * OUT1,), jnp.float32),
    mesh=plsc.VectorSubcoreMesh(core_axis_name="c", subcore_axis_name="s"),
    compiler_params=pltpu.CompilerParams(needs_layout_passes=False),
    scratch_types=[
        pltpu.VMEM((2 * FH * D1,), jnp.float32),
        pltpu.VMEM((HSLOT,), jnp.float32),
        pltpu.VMEM((2 * OUT1,), jnp.float32),
    ],
)


@jax.jit
def kernel(xx):
    return _hist_call(xx.reshape(D0 * D1)).reshape(OUT0, OUT1)

# --- scband reference (transcript-rebuilt; emitter-appended) ---
"""Pipeline reference for scband-hist-layer-15753940042001 (READ-ONLY COPY).

The authoritative reference and input builder live on the scoring server;
editing this copy changes nothing except your own understanding.
"""

import jax, jax.numpy as jnp
import numpy as np

D_IN = (192, 160)
STRIDE = (3, 5)
FILT = (3, 5)
HIST_BINS = [-2.0 + 0.125 * k for k in range(32)]
NUM_BINS = len(HIST_BINS)


def setup_inputs(seed: int = 0) -> dict:
    key = jax.random.key(seed)
    xx = jax.random.normal(key, D_IN, dtype=jnp.float32)
    return {"xx": xx}


def reference(xx):
    # Faithful translation of HistLayer.forward.
    # For each (stride-aligned, non-overlapping since stride == filt_dim and
    # D_in divisible by stride) window, each pixel is assigned the first bin k
    # with pixel <= histBins[k] (pixels above the last bin edge are counted in
    # the last histogram bucket, matching the torch loop where histFreq[k] += 1
    # runs with k == numBins-1 when no break happens). The output pixel is the
    # argmax (first max, like np.argmax) of the per-window histogram, as float.
    bins = jnp.asarray(HIST_BINS, dtype=xx.dtype)
    d_out0 = (D_IN[0] - FILT[0]) // STRIDE[0] + 1  # 64
    d_out1 = (D_IN[1] - FILT[1]) // STRIDE[1] + 1  # 32
    windows = xx.reshape(d_out0, FILT[0], d_out1, FILT[1])
    windows = windows.transpose(0, 2, 1, 3).reshape(d_out0, d_out1, FILT[0] * FILT[1])
    cmp = windows[..., None] <= bins  # (d0, d1, P, NUM_BINS)
    has_bin = jnp.any(cmp, axis=-1)
    first_bin = jnp.argmax(cmp, axis=-1)  # first k with value <= bins[k]
    idx = jnp.where(has_bin, first_bin, NUM_BINS)
    # frequency always accumulates into min(idx, NUM_BINS-1) per the torch code
    freq_idx = jnp.minimum(idx, NUM_BINS - 1)
    hist = jnp.sum(jax.nn.one_hot(freq_idx, NUM_BINS, dtype=jnp.int32), axis=2)  # (d0, d1, NUM_BINS)
    mode_bin = jnp.argmax(hist, axis=-1)  # first max, matches np.argmax
    output = mode_bin.astype(jnp.float32)
    return output

if __name__ == "__main__":
    import jax
    _d = setup_inputs()
    print(jax.jit(kernel)(*tuple(_d.values())))

</pallas_src>

<mosaic_0001>
#map = affine_map<(d0, d1) -> (0)>
module attributes {stable_mosaic.version = 14 : i64} {
  func.func @_body(%arg0: i32, %arg1: i32, %arg2: memref<30720xf32, #tpu.memory_space<hbm>>, %arg3: memref<2048xf32, #tpu.memory_space<hbm>>, %arg4: memref<960xf32, #tpu.memory_space<vmem>>, %arg5: memref<512xf32, #tpu.memory_space<vmem>>, %arg6: memref<64xf32, #tpu.memory_space<vmem>>) attributes {dimension_semantics = [#tpu.dimension_semantics<core_parallel>, #tpu.dimension_semantics<subcore_parallel>], iteration_bounds = array<i64: 2, 16>, scalar_prefetch = 0 : i64, scratch_operands = 3 : i64, tpu.core_type = #tpu.core_type<sc_vector_subcore>, window_params = [{transform_indices = #map}, {transform_indices = #map}]} {
    %mul3A = arith.constant 2 : i32
    %mul3A_0 = arith.muli %arg1, %mul3A : i32
    %add3A = arith.addi %mul3A_0, %arg0 : i32
    %mul3A_1 = arith.constant 960 : i32
    %mul3A_2 = arith.muli %add3A, %mul3A_1 : i32
    "tpu.region"() ({
      %run_scoped3A = tpu.sem_alloc : memref<!tpu.dma_semaphore, #tpu.memory_space<semaphore_mem>>
      %dma_start3A = tpu.memref_slice %arg2[%mul3A_2] : memref<30720xf32, #tpu.memory_space<hbm>> -> memref<960xf32, #tpu.memory_space<hbm>>
      %dma_start3A_19 = tpu.memref_slice %arg2[%mul3A_2] : memref<30720xf32, #tpu.memory_space<hbm>> -> memref<960xf32, #tpu.memory_space<hbm>>
      tpu.enqueue_dma source(%dma_start3A_19 : memref<960xf32, #tpu.memory_space<hbm>>) target(%arg4 : memref<960xf32, #tpu.memory_space<vmem>>) target_semaphore(%run_scoped3A : memref<!tpu.dma_semaphore, #tpu.memory_space<semaphore_mem>>)
      %dma_wait3A = tpu.memref_slice %arg2[%mul3A_2] : memref<30720xf32, #tpu.memory_space<hbm>> -> memref<960xf32, #tpu.memory_space<hbm>>
      %dma_wait3A_20 = tpu.memref_slice %arg2[%mul3A_2] : memref<30720xf32, #tpu.memory_space<hbm>> -> memref<960xf32, #tpu.memory_space<hbm>>
      tpu.wait_dma2 semaphore(%run_scoped3A : memref<!tpu.dma_semaphore, #tpu.memory_space<semaphore_mem>>) src(%dma_wait3A_20 : memref<960xf32, #tpu.memory_space<hbm>>) dst(%arg4 : memref<960xf32, #tpu.memory_space<vmem>>)
      tpu.yield
    }) : () -> ()
    %iota3A = tpu.iota {dimensions = array<i32: 0>} : vector<16xi32>
    %mul3A_3 = arith.constant 5 : i32
    %mul3A_4 = vector.broadcast %mul3A_3 : i32 to vector<16xi32>
    %mul3A_5 = arith.muli %iota3A, %mul3A_4 : vector<16xi32>
    %broadcast_in_dim3A = arith.constant 3.200000e+01 : f32
    %broadcast_in_dim3A_6 = vector.broadcast %broadcast_in_dim3A : f32 to vector<16xf32>
    %add3A_7 = arith.constant 256 : i32
    %add3A_8 = vector.broadcast %add3A_7 : i32 to vector<16xi32>
    %add3A_9 = arith.addi %iota3A, %add3A_8 : vector<16xi32>
    %scan3A = arith.constant 0 : i32
    %scan3A_10 = arith.constant 0 : i32
    %scan3A_11 = arith.constant 4 : i32
    %scan3A_12 = arith.addi %scan3A_10, %scan3A_11 : i32
    %scan3A_13 = arith.constant 1 : i32
    scf.for %scan3A_19 = %scan3A_10 to %scan3A_12 step %scan3A_13  : i32 {
      %shift_right_arithmetic3A = arith.constant 1 : i32
      %shift_right_arithmetic3A_20 = arith.shrsi %scan3A_19, %shift_right_arithmetic3A : i32
      %mul3A_21 = arith.constant 480 : i32
      %mul3A_22 = arith.muli %shift_right_arithmetic3A_20, %mul3A_21 : i32
      %and3A = arith.constant 1 : i32
      %and3A_23 = arith.andi %scan3A_19, %and3A : i32
      %mul3A_24 = arith.constant 80 : i32
      %mul3A_25 = arith.muli %and3A_23, %mul3A_24 : i32
      %add3A_26 = arith.addi %mul3A_22, %mul3A_25 : i32
      %add3A_27 = vector.broadcast %add3A_26 : i32 to vector<16xi32>
      %add3A_28 = arith.addi %mul3A_5, %add3A_27 : vector<16xi32>
      %broadcast_in_dim3A_29 = arith.constant 3.100000e+01 : f32
      %broadcast_in_dim3A_30 = vector.broadcast %broadcast_in_dim3A_29 : f32 to vector<16xf32>
      %swap3A = arith.constant 0 : index
      %swap3A_31 = tpu.vector_load %arg5[%swap3A] {strides = array<i32>} : memref<512xf32, #tpu.memory_space<vmem>>, vector<16xf32>,
      tpu.vector_store %arg5[%swap3A], %broadcast_in_dim3A_30 {strides = array<i32>} : memref<512xf32, #tpu.memory_space<vmem>>, vector<16xf32>,
      %broadcast_in_dim3A_32 = arith.constant 3.000000e+01 : f32
      %broadcast_in_dim3A_33 = vector.broadcast %broadcast_in_dim3A_32 : f32 to vector<16xf32>
      %swap3A_34 = arith.constant 16 : index
      %swap3A_35 = tpu.vector_load %arg5[%swap3A_34] {strides = array<i32>} : memref<512xf32, #tpu.memory_space<vmem>>, vector<16xf32>,
      tpu.vector_store %arg5[%swap3A_34], %broadcast_in_dim3A_33 {strides = array<i32>} : memref<512xf32, #tpu.memory_space<vmem>>, vector<16xf32>,
      %broadcast_in_dim3A_36 = arith.constant 2.900000e+01 : f32
      %broadcast_in_dim3A_37 = vector.broadcast %broadcast_in_dim3A_36 : f32 to vector<16xf32>
      %swap3A_38 = arith.constant 32 : index
      %swap3A_39 = tpu.vector_load %arg5[%swap3A_38] {strides = array<i32>} : memref<512xf32, #tpu.memory_space<vmem>>, vector<16xf32>,
      tpu.vector_store %arg5[%swap3A_38], %broadcast_in_dim3A_37 {strides = array<i32>} : memref<512xf32, #tpu.memory_space<vmem>>, vector<16xf32>,
      %broadcast_in_dim3A_40 = arith.constant 2.800000e+01 : f32
      %broadcast_in_dim3A_41 = vector.broadcast %broadcast_in_dim3A_40 : f32 to vector<16xf32>
      %swap3A_42 = arith.constant 48 : index
      %swap3A_43 = tpu.vector_load %arg5[%swap3A_42] {strides = array<i32>} : memref<512xf32, #tpu.memory_space<vmem>>, vector<16xf32>,
      tpu.vector_store %arg5[%swap3A_42], %broadcast_in_dim3A_41 {strides = array<i32>} : memref<512xf32, #tpu.memory_space<vmem>>, vector<16xf32>,
      %broadcast_in_dim3A_44 = arith.constant 2.700000e+01 : f32
      %broadcast_in_dim3A_45 = vector.broadcast %broadcast_in_dim3A_44 : f32 to vector<16xf32>
      %swap3A_46 = arith.constant 64 : index
      %swap3A_47 = tpu.vector_load %arg5[%swap3A_46] {strides = array<i32>} : memref<512xf32, #tpu.memory_space<vmem>>, vector<16xf32>,
      tpu.vector_store %arg5[%swap3A_46], %broadcast_in_dim3A_45 {strides = array<i32>} : memref<512xf32, #tpu.memory_space<vmem>>, vector<16xf32>,
      %broadcast_in_dim3A_48 = arith.constant 2.600000e+01 : f32
      %broadcast_in_dim3A_49 = vector.broadcast %broadcast_in_dim3A_48 : f32 to vector<16xf32>
      %swap3A_50 = arith.constant 80 : index
      %swap3A_51 = tpu.vector_load %arg5[%swap3A_50] {strides = array<i32>} : memref<512xf32, #tpu.memory_space<vmem>>, vector<16xf32>,
      tpu.vector_store %arg5[%swap3A_50], %broadcast_in_dim3A_49 {strides = array<i32>} : memref<512xf32, #tpu.memory_space<vmem>>, vector<16xf32>,
      %broadcast_in_dim3A_52 = arith.constant 2.500000e+01 : f32
      %broadcast_in_dim3A_53 = vector.broadcast %broadcast_in_dim3A_52 : f32 to vector<16xf32>
      %swap3A_54 = arith.constant 96 : index
      %swap3A_55 = tpu.vector_load %arg5[%swap3A_54] {strides = array<i32>} : memref<512xf32, #tpu.memory_space<vmem>>, vector<16xf32>,
      tpu.vector_store %arg5[%swap3A_54], %broadcast_in_dim3A_53 {strides = array<i32>} : memref<512xf32, #tpu.memory_space<vmem>>, vector<16xf32>,
      %broadcast_in_dim3A_56 = arith.constant 2.400000e+01 : f32
      %broadcast_in_dim3A_57 = vector.broadcast %broadcast_in_dim3A_56 : f32 to vector<16xf32>
      %swap3A_58 = arith.constant 112 : index
      %swap3A_59 = tpu.vector_load %arg5[%swap3A_58] {strides = array<i32>} : memref<512xf32, #tpu.memory_space<vmem>>, vector<16xf32>,
      tpu.vector_store %arg5[%swap3A_58], %broadcast_in_dim3A_57 {strides = array<i32>} : memref<512xf32, #tpu.memory_space<vmem>>, vector<16xf32>,
      %broadcast_in_dim3A_60 = arith.constant 2.300000e+01 : f32
      %broadcast_in_dim3A_61 = vector.broadcast %broadcast_in_dim3A_60 : f32 to vector<16xf32>
      %swap3A_62 = arith.constant 128 : index
      %swap3A_63 = tpu.vector_load %arg5[%swap3A_62] {strides = array<i32>} : memref<512xf32, #tpu.memory_space<vmem>>, vector<16xf32>,
      tpu.vector_store %arg5[%swap3A_62], %broadcast_in_dim3A_61 {strides = array<i32>} : memref<512xf32, #tpu.memory_space<vmem>>, vector<16xf32>,
      %broadcast_in_dim3A_64 = arith.constant 2.200000e+01 : f32
      %broadcast_in_dim3A_65 = vector.broadcast %broadcast_in_dim3A_64 : f32 to vector<16xf32>
      %swap3A_66 = arith.constant 144 : index
      %swap3A_67 = tpu.vector_load %arg5[%swap3A_66] {strides = array<i32>} : memref<512xf32, #tpu.memory_space<vmem>>, vector<16xf32>,
      tpu.vector_store %arg5[%swap3A_66], %broadcast_in_dim3A_65 {strides = array<i32>} : memref<512xf32, #tpu.memory_space<vmem>>, vector<16xf32>,
      %broadcast_in_dim3A_68 = arith.constant 2.100000e+01 : f32
      %broadcast_in_dim3A_69 = vector.broadcast %broadcast_in_dim3A_68 : f32 to vector<16xf32>
      %swap3A_70 = arith.constant 160 : index
      %swap3A_71 = tpu.vector_load %arg5[%swap3A_70] {strides = array<i32>} : memref<512xf32, #tpu.memory_space<vmem>>, vector<16xf32>,
      tpu.vector_store %arg5[%swap3A_70], %broadcast_in_dim3A_69 {strides = array<i32>} : memref<512xf32, #tpu.memory_space<vmem>>, vector<16xf32>,
      %broadcast_in_dim3A_72 = arith.constant 2.000000e+01 : f32
      %broadcast_in_dim3A_73 = vector.broadcast %broadcast_in_dim3A_72 : f32 to vector<16xf32>
      %swap3A_74 = arith.constant 176 : index
      %swap3A_75 = tpu.vector_load %arg5[%swap3A_74] {strides = array<i32>} : memref<512xf32, #tpu.memory_space<vmem>>, vector<16xf32>,
      tpu.vector_store %arg5[%swap3A_74], %broadcast_in_dim3A_73 {strides = array<i32>} : memref<512xf32, #tpu.memory_space<vmem>>, vector<16xf32>,
      %broadcast_in_dim3A_76 = arith.constant 1.900000e+01 : f32
      %broadcast_in_dim3A_77 = vector.broadcast %broadcast_in_dim3A_76 : f32 to vector<16xf32>
      %swap3A_78 = arith.constant 192 : index
      %swap3A_79 = tpu.vector_load %arg5[%swap3A_78] {strides = array<i32>} : memref<512xf32, #tpu.memory_space<vmem>>, vector<16xf32>,
      tpu.vector_store %arg5[%swap3A_78], %broadcast_in_dim3A_77 {strides = array<i32>} : memref<512xf32, #tpu.memory_space<vmem>>, vector<16xf32>,
      %broadcast_in_dim3A_80 = arith.constant 1.800000e+01 : f32
      %broadcast_in_dim3A_81 = vector.broadcast %broadcast_in_dim3A_80 : f32 to vector<16xf32>
      %swap3A_82 = arith.constant 208 : index
      %swap3A_83 = tpu.vector_load %arg5[%swap3A_82] {strides = array<i32>} : memref<512xf32, #tpu.memory_space<vmem>>, vector<16xf32>,
      tpu.vector_store %arg5[%swap3A_82], %broadcast_in_dim3A_81 {strides = array<i32>} : memref<512xf32, #tpu.memory_space<vmem>>, vector<16xf32>,
      %broadcast_in_dim3A_84 = arith.constant 1.700000e+01 : f32
      %broadcast_in_dim3A_85 = vector.broadcast %broadcast_in_dim3A_84 : f32 to vector<16xf32>
      %swap3A_86 = arith.constant 224 : index
      %swap3A_87 = tpu.vector_load %arg5[%swap3A_86] {strides = array<i32>} : memref<512xf32, #tpu.memory_space<vmem>>, vector<16xf32>,
      tpu.vector_store %arg5[%swap3A_86], %broadcast_in_dim3A_85 {strides = array<i32>} : memref<512xf32, #tpu.memory_space<vmem>>, vector<16xf32>,
      %broadcast_in_dim3A_88 = arith.constant 1.600000e+01 : f32
      %broadcast_in_dim3A_89 = vector.broadcast %broadcast_in_dim3A_88 : f32 to vector<16xf32>
      %swap3A_90 = arith.constant 240 : index
      %swap3A_91 = tpu.vector_load %arg5[%swap3A_90] {strides = array<i32>} : memref<512xf32, #tpu.memory_space<vmem>>, vector<16xf32>,
      tpu.vector_store %arg5[%swap3A_90], %broadcast_in_dim3A_89 {strides = array<i32>} : memref<512xf32, #tpu.memory_space<vmem>>, vector<16xf32>,
      %broadcast_in_dim3A_92 = arith.constant 1.500000e+01 : f32
      %broadcast_in_dim3A_93 = vector.broadcast %broadcast_in_dim3A_92 : f32 to vector<16xf32>
      %swap3A_94 = arith.constant 256 : index
      %swap3A_95 = tpu.vector_load %arg5[%swap3A_94] {strides = array<i32>} : memref<512xf32, #tpu.memory_space<vmem>>, vector<16xf32>,
      tpu.vector_store %arg5[%swap3A_94], %broadcast_in_dim3A_93 {strides = array<i32>} : memref<512xf32, #tpu.memory_space<vmem>>, vector<16xf32>,
      %broadcast_in_dim3A_96 = arith.constant 1.400000e+01 : f32
      %broadcast_in_dim3A_97 = vector.broadcast %broadcast_in_dim3A_96 : f32 to vector<16xf32>
      %swap3A_98 = arith.constant 272 : index
      %swap3A_99 = tpu.vector_load %arg5[%swap3A_98] {strides = array<i32>} : memref<512xf32, #tpu.memory_space<vmem>>, vector<16xf32>,
      tpu.vector_store %arg5[%swap3A_98], %broadcast_in_dim3A_97 {strides = array<i32>} : memref<512xf32, #tpu.memory_space<vmem>>, vector<16xf32>,
      %broadcast_in_dim3A_100 = arith.constant 1.300000e+01 : f32
      %broadcast_in_dim3A_101 = vector.broadcast %broadcast_in_dim3A_100 : f32 to vector<16xf32>
      %swap3A_102 = arith.constant 288 : index
      %swap3A_103 = tpu.vector_load %arg5[%swap3A_102] {strides = array<i32>} : memref<512xf32, #tpu.memory_space<vmem>>, vector<16xf32>,
      tpu.vector_store %arg5[%swap3A_102], %broadcast_in_dim3A_101 {strides = array<i32>} : memref<512xf32, #tpu.memory_space<vmem>>, vector<16xf32>,
      %broadcast_in_dim3A_104 = arith.constant 1.200000e+01 : f32
      %broadcast_in_dim3A_105 = vector.broadcast %broadcast_in_dim3A_104 : f32 to vector<16xf32>
      %swap3A_106 = arith.constant 304 : index
      %swap3A_107 = tpu.vector_load %arg5[%swap3A_106] {strides = array<i32>} : memref<512xf32, #tpu.memory_space<vmem>>, vector<16xf32>,
      tpu.vector_store %arg5[%swap3A_106], %broadcast_in_dim3A_105 {strides = array<i32>} : memref<512xf32, #tpu.memory_space<vmem>>, vector<16xf32>,
      %broadcast_in_dim3A_108 = arith.constant 1.100000e+01 : f32
      %broadcast_in_dim3A_109 = vector.broadcast %broadcast_in_dim3A_108 : f32 to vector<16xf32>
      %swap3A_110 = arith.constant 320 : index
      %swap3A_111 = tpu.vector_load %arg5[%swap3A_110] {strides = array<i32>} : memref<512xf32, #tpu.memory_space<vmem>>, vector<16xf32>,
      tpu.vector_store %arg5[%swap3A_110], %broadcast_in_dim3A_109 {strides = array<i32>} : memref<512xf32, #tpu.memory_space<vmem>>, vector<16xf32>,
      %broadcast_in_dim3A_112 = arith.constant 1.000000e+01 : f32
      %broadcast_in_dim3A_113 = vector.broadcast %broadcast_in_dim3A_112 : f32 to vector<16xf32>
      %swap3A_114 = arith.constant 336 : index
      %swap3A_115 = tpu.vector_load %arg5[%swap3A_114] {strides = array<i32>} : memref<512xf32, #tpu.memory_space<vmem>>, vector<16xf32>,
      tpu.vector_store %arg5[%swap3A_114], %broadcast_in_dim3A_113 {strides = array<i32>} : memref<512xf32, #tpu.memory_space<vmem>>, vector<16xf32>,
      %broadcast_in_dim3A_116 = arith.constant 9.000000e+00 : f32
      %broadcast_in_dim3A_117 = vector.broadcast %broadcast_in_dim3A_116 : f32 to vector<16xf32>
      %swap3A_118 = arith.constant 352 : index
      %swap3A_119 = tpu.vector_load %arg5[%swap3A_118] {strides = array<i32>} : memref<512xf32, #tpu.memory_space<vmem>>, vector<16xf32>,
      tpu.vector_store %arg5[%swap3A_118], %broadcast_in_dim3A_117 {strides = array<i32>} : memref<512xf32, #tpu.memory_space<vmem>>, vector<16xf32>,
      %broadcast_in_dim3A_120 = arith.constant 8.000000e+00 : f32
      %broadcast_in_dim3A_121 = vector.broadcast %broadcast_in_dim3A_120 : f32 to vector<16xf32>
      %swap3A_122 = arith.constant 368 : index
      %swap3A_123 = tpu.vector_load %arg5[%swap3A_122] {strides = array<i32>} : memref<512xf32, #tpu.memory_space<vmem>>, vector<16xf32>,
      tpu.vector_store %arg5[%swap3A_122], %broadcast_in_dim3A_121 {strides = array<i32>} : memref<512xf32, #tpu.memory_space<vmem>>, vector<16xf32>,
      %broadcast_in_dim3A_124 = arith.constant 7.000000e+00 : f32
      %broadcast_in_dim3A_125 = vector.broadcast %broadcast_in_dim3A_124 : f32 to vector<16xf32>
      %swap3A_126 = arith.constant 384 : index
      %swap3A_127 = tpu.vector_load %arg5[%swap3A_126] {strides = array<i32>} : memref<512xf32, #tpu.memory_space<vmem>>, vector<16xf32>,
      tpu.vector_store %arg5[%swap3A_126], %broadcast_in_dim3A_125 {strides = array<i32>} : memref<512xf32, #tpu.memory_space<vmem>>, vector<16xf32>,
      %broadcast_in_dim3A_128 = arith.constant 6.000000e+00 : f32
      %broadcast_in_dim3A_129 = vector.broadcast %broadcast_in_dim3A_128 : f32 to vector<16xf32>
      %swap3A_130 = arith.constant 400 : index
      %swap3A_131 = tpu.vector_load %arg5[%swap3A_130] {strides = array<i32>} : memref<512xf32, #tpu.memory_space<vmem>>, vector<16xf32>,
      tpu.vector_store %arg5[%swap3A_130], %broadcast_in_dim3A_129 {strides = array<i32>} : memref<512xf32, #tpu.memory_space<vmem>>, vector<16xf32>,
      %broadcast_in_dim3A_132 = arith.constant 5.000000e+00 : f32
      %broadcast_in_dim3A_133 = vector.broadcast %broadcast_in_dim3A_132 : f32 to vector<16xf32>
      %swap3A_134 = arith.constant 416 : index
      %swap3A_135 = tpu.vector_load %arg5[%swap3A_134] {strides = array<i32>} : memref<512xf32, #tpu.memory_space<vmem>>, vector<16xf32>,
      tpu.vector_store %arg5[%swap3A_134], %broadcast_in_dim3A_133 {strides = array<i32>} : memref<512xf32, #tpu.memory_space<vmem>>, vector<16xf32>,
      %broadcast_in_dim3A_136 = arith.constant 4.000000e+00 : f32
      %broadcast_in_dim3A_137 = vector.broadcast %broadcast_in_dim3A_136 : f32 to vector<16xf32>
      %swap3A_138 = arith.constant 432 : index
      %swap3A_139 = tpu.vector_load %arg5[%swap3A_138] {strides = array<i32>} : memref<512xf32, #tpu.memory_space<vmem>>, vector<16xf32>,
      tpu.vector_store %arg5[%swap3A_138], %broadcast_in_dim3A_137 {strides = array<i32>} : memref<512xf32, #tpu.memory_space<vmem>>, vector<16xf32>,
      %broadcast_in_dim3A_140 = arith.constant 3.000000e+00 : f32
      %broadcast_in_dim3A_141 = vector.broadcast %broadcast_in_dim3A_140 : f32 to vector<16xf32>
      %swap3A_142 = arith.constant 448 : index
      %swap3A_143 = tpu.vector_load %arg5[%swap3A_142] {strides = array<i32>} : memref<512xf32, #tpu.memory_space<vmem>>, vector<16xf32>,
      tpu.vector_store %arg5[%swap3A_142], %broadcast_in_dim3A_141 {strides = array<i32>} : memref<512xf32, #tpu.memory_space<vmem>>, vector<16xf32>,
      %broadcast_in_dim3A_144 = arith.constant 2.000000e+00 : f32
      %broadcast_in_dim3A_145 = vector.broadcast %broadcast_in_dim3A_144 : f32 to vector<16xf32>
      %swap3A_146 = arith.constant 464 : index
      %swap3A_147 = tpu.vector_load %arg5[%swap3A_146] {strides = array<i32>} : memref<512xf32, #tpu.memory_space<vmem>>, vector<16xf32>,
      tpu.vector_store %arg5[%swap3A_146], %broadcast_in_dim3A_145 {strides = array<i32>} : memref<512xf32, #tpu.memory_space<vmem>>, vector<16xf32>,
      %broadcast_in_dim3A_148 = arith.constant 1.000000e+00 : f32
      %broadcast_in_dim3A_149 = vector.broadcast %broadcast_in_dim3A_148 : f32 to vector<16xf32>
      %swap3A_150 = arith.constant 480 : index
      %swap3A_151 = tpu.vector_load %arg5[%swap3A_150] {strides = array<i32>} : memref<512xf32, #tpu.memory_space<vmem>>, vector<16xf32>,
      tpu.vector_store %arg5[%swap3A_150], %broadcast_in_dim3A_149 {strides = array<i32>} : memref<512xf32, #tpu.memory_space<vmem>>, vector<16xf32>,
      %broadcast_in_dim3A_152 = arith.constant 0.000000e+00 : f32
      %broadcast_in_dim3A_153 = vector.broadcast %broadcast_in_dim3A_152 : f32 to vector<16xf32>
      %swap3A_154 = arith.constant 496 : index
      %swap3A_155 = tpu.vector_load %arg5[%swap3A_154] {strides = array<i32>} : memref<512xf32, #tpu.memory_space<vmem>>, vector<16xf32>,
      tpu.vector_store %arg5[%swap3A_154], %broadcast_in_dim3A_153 {strides = array<i32>} : memref<512xf32, #tpu.memory_space<vmem>>, vector<16xf32>,
      %add3A_156 = arith.constant 0 : i32
      %add3A_157 = vector.broadcast %add3A_156 : i32 to vector<16xi32>
      %add3A_158 = arith.addi %add3A_28, %add3A_157 : vector<16xi32>
      %gather3A = tpu.vector_load_idx %arg4[%add3A_158] : memref<960xf32, #tpu.memory_space<vmem>>[vector<16xi32>], vector<16xf32>,
      %mul3A_159 = arith.constant 8.000000e+00 : f32
      %mul3A_160 = vector.broadcast %mul3A_159 : f32 to vector<16xf32>
      %mul3A_161 = arith.mulf %gather3A, %mul3A_160 : vector<16xf32>
      %max3A = arith.constant -1.600000e+01 : f32
      %max3A_162 = vector.broadcast %max3A : f32 to vector<16xf32>
      %max3A_163 = arith.maximumf %mul3A_161, %max3A_162 : vector<16xf32>
      %min3A = arith.constant 1.500000e+01 : f32
      %min3A_164 = vector.broadcast %min3A : f32 to vector<16xf32>
      %min3A_165 = arith.minimumf %max3A_163, %min3A_164 : vector<16xf32>
      %convert_element_type3A = arith.fptosi %min3A_165 : vector<16xf32> to vector<16xi32>
      %convert_element_type3A_166 = arith.sitofp %convert_element_type3A : vector<16xi32> to vector<16xf32>
      %lt3A = arith.cmpf olt, %convert_element_type3A_166, %min3A_165 : vector<16xf32>
      %convert_element_type3A_167 = arith.extui %lt3A : vector<16xi1> to vector<16xi32>
      %add3A_168 = arith.addi %convert_element_type3A, %convert_element_type3A_167 : vector<16xi32>
      %shift_left3A = arith.constant 4 : i32
      %shift_left3A_169 = vector.broadcast %shift_left3A : i32 to vector<16xi32>
      %shift_left3A_170 = arith.shli %add3A_168, %shift_left3A_169 : vector<16xi32>
      %add3A_171 = arith.addi %shift_left3A_170, %add3A_9 : vector<16xi32>
      tpu.vector_store_idx %arg5[%add3A_171], %broadcast_in_dim3A_6 {add = true} : memref<512xf32, #tpu.memory_space<vmem>>[vector<16xi32>], vector<16xf32>,
      %add3A_172 = arith.constant 1 : i32
      %add3A_173 = vector.broadcast %add3A_172 : i32 to vector<16xi32>
      %add3A_174 = arith.addi %add3A_28, %add3A_173 : vector<16xi32>
      %gather3A_175 = tpu.vector_load_idx %arg4[%add3A_174] : memref<960xf32, #tpu.memory_space<vmem>>[vector<16xi32>], vector<16xf32>,
      %mul3A_176 = arith.constant 8.000000e+00 : f32
      %mul3A_177 = vector.broadcast %mul3A_176 : f32 to vector<16xf32>
      %mul3A_178 = arith.mulf %gather3A_175, %mul3A_177 : vector<16xf32>
      %max3A_179 = arith.constant -1.600000e+01 : f32
      %max3A_180 = vector.broadcast %max3A_179 : f32 to vector<16xf32>
      %max3A_181 = arith.maximumf %mul3A_178, %max3A_180 : vector<16xf32>
      %min3A_182 = arith.constant 1.500000e+01 : f32
      %min3A_183 = vector.broadcast %min3A_182 : f32 to vector<16xf32>
      %min3A_184 = arith.minimumf %max3A_181, %min3A_183 : vector<16xf32>
      %convert_element_type3A_185 = arith.fptosi %min3A_184 : vector<16xf32> to vector<16xi32>
      %convert_element_type3A_186 = arith.sitofp %convert_element_type3A_185 : vector<16xi32> to vector<16xf32>
      %lt3A_187 = arith.cmpf olt, %convert_element_type3A_186, %min3A_184 : vector<16xf32>
      %convert_element_type3A_188 = arith.extui %lt3A_187 : vector<16xi1> to vector<16xi32>
      %add3A_189 = arith.addi %convert_element_type3A_185, %convert_element_type3A_188 : vector<16xi32>
      %shift_left3A_190 = arith.constant 4 : i32
      %shift_left3A_191 = vector.broadcast %shift_left3A_190 : i32 to vector<16xi32>
      %shift_left3A_192 = arith.shli %add3A_189, %shift_left3A_191 : vector<16xi32>
      %add3A_193 = arith.addi %shift_left3A_192, %add3A_9 : vector<16xi32>
      tpu.vector_store_idx %arg5[%add3A_193], %broadcast_in_dim3A_6 {add = true} : memref<512xf32, #tpu.memory_space<vmem>>[vector<16xi32>], vector<16xf32>,
      %add3A_194 = arith.constant 2 : i32
      %add3A_195 = vector.broadcast %add3A_194 : i32 to vector<16xi32>
      %add3A_196 = arith.addi %add3A_28, %add3A_195 : vector<16xi32>
      %gather3A_197 = tpu.vector_load_idx %arg4[%add3A_196] : memref<960xf32, #tpu.memory_space<vmem>>[vector<16xi32>], vector<16xf32>,
      %mul3A_198 = arith.constant 8.000000e+00 : f32
      %mul3A_199 = vector.broadcast %mul3A_198 : f32 to vector<16xf32>
      %mul3A_200 = arith.mulf %gather3A_197, %mul3A_199 : vector<16xf32>
      %max3A_201 = arith.constant -1.600000e+01 : f32
      %max3A_202 = vector.broadcast %max3A_201 : f32 to vector<16xf32>
      %max3A_203 = arith.maximumf %mul3A_200, %max3A_202 : vector<16xf32>
      %min3A_204 = arith.constant 1.500000e+01 : f32
      %min3A_205 = vector.broadcast %min3A_204 : f32 to vector<16xf32>
      %min3A_206 = arith.minimumf %max3A_203, %min3A_205 : vector<16xf32>
      %convert_element_type3A_207 = arith.fptosi %min3A_206 : vector<16xf32> to vector<16xi32>
      %convert_element_type3A_208 = arith.sitofp %convert_element_type3A_207 : vector<16xi32> to vector<16xf32>
      %lt3A_209 = arith.cmpf olt, %convert_element_type3A_208, %min3A_206 : vector<16xf32>
      %convert_element_type3A_210 = arith.extui %lt3A_209 : vector<16xi1> to vector<16xi32>
      %add3A_211 = arith.addi %convert_element_type3A_207, %convert_element_type3A_210 : vector<16xi32>
      %shift_left3A_212 = arith.constant 4 : i32
      %shift_left3A_213 = vector.broadcast %shift_left3A_212 : i32 to vector<16xi32>
      %shift_left3A_214 = arith.shli %add3A_211, %shift_left3A_213 : vector<16xi32>
      %add3A_215 = arith.addi %shift_left3A_214, %add3A_9 : vector<16xi32>
      tpu.vector_store_idx %arg5[%add3A_215], %broadcast_in_dim3A_6 {add = true} : memref<512xf32, #tpu.memory_space<vmem>>[vector<16xi32>], vector<16xf32>,
      %add3A_216 = arith.constant 3 : i32
      %add3A_217 = vector.broadcast %add3A_216 : i32 to vector<16xi32>
      %add3A_218 = arith.addi %add3A_28, %add3A_217 : vector<16xi32>
      %gather3A_219 = tpu.vector_load_idx %arg4[%add3A_218] : memref<960xf32, #tpu.memory_space<vmem>>[vector<16xi32>], vector<16xf32>,
      %mul3A_220 = arith.constant 8.000000e+00 : f32
      %mul3A_221 = vector.broadcast %mul3A_220 : f32 to vector<16xf32>
      %mul3A_222 = arith.mulf %gather3A_219, %mul3A_221 : vector<16xf32>
      %max3A_223 = arith.constant -1.600000e+01 : f32
      %max3A_224 = vector.broadcast %max3A_223 : f32 to vector<16xf32>
      %max3A_225 = arith.maximumf %mul3A_222, %max3A_224 : vector<16xf32>
      %min3A_226 = arith.constant 1.500000e+01 : f32
      %min3A_227 = vector.broadcast %min3A_226 : f32 to vector<16xf32>
      %min3A_228 = arith.minimumf %max3A_225, %min3A_227 : vector<16xf32>
      %convert_element_type3A_229 = arith.fptosi %min3A_228 : vector<16xf32> to vector<16xi32>
      %convert_element_type3A_230 = arith.sitofp %convert_element_type3A_229 : vector<16xi32> to vector<16xf32>
      %lt3A_231 = arith.cmpf olt, %convert_element_type3A_230, %min3A_228 : vector<16xf32>
      %convert_element_type3A_232 = arith.extui %lt3A_231 : vector<16xi1> to vector<16xi32>
      %add3A_233 = arith.addi %convert_element_type3A_229, %convert_element_type3A_232 : vector<16xi32>
      %shift_left3A_234 = arith.constant 4 : i32
      %shift_left3A_235 = vector.broadcast %shift_left3A_234 : i32 to vector<16xi32>
      %shift_left3A_236 = arith.shli %add3A_233, %shift_left3A_235 : vector<16xi32>
      %add3A_237 = arith.addi %shift_left3A_236, %add3A_9 : vector<16xi32>
      tpu.vector_store_idx %arg5[%add3A_237], %broadcast_in_dim3A_6 {add = true} : memref<512xf32, #tpu.memory_space<vmem>>[vector<16xi32>], vector<16xf32>,
      %add3A_238 = arith.constant 4 : i32
      %add3A_239 = vector.broadcast %add3A_238 : i32 to vector<16xi32>
      %add3A_240 = arith.addi %add3A_28, %add3A_239 : vector<16xi32>
      %gather3A_241 = tpu.vector_load_idx %arg4[%add3A_240] : memref<960xf32, #tpu.memory_space<vmem>>[vector<16xi32>], vector<16xf32>,
      %mul3A_242 = arith.constant 8.000000e+00 : f32
      %mul3A_243 = vector.broadcast %mul3A_242 : f32 to vector<16xf32>
      %mul3A_244 = arith.mulf %gather3A_241, %mul3A_243 : vector<16xf32>
      %max3A_245 = arith.constant -1.600000e+01 : f32
      %max3A_246 = vector.broadcast %max3A_245 : f32 to vector<16xf32>
      %max3A_247 = arith.maximumf %mul3A_244, %max3A_246 : vector<16xf32>
      %min3A_248 = arith.constant 1.500000e+01 : f32
      %min3A_249 = vector.broadcast %min3A_248 : f32 to vector<16xf32>
      %min3A_250 = arith.minimumf %max3A_247, %min3A_249 : vector<16xf32>
      %convert_element_type3A_251 = arith.fptosi %min3A_250 : vector<16xf32> to vector<16xi32>
      %convert_element_type3A_252 = arith.sitofp %convert_element_type3A_251 : vector<16xi32> to vector<16xf32>
      %lt3A_253 = arith.cmpf olt, %convert_element_type3A_252, %min3A_250 : vector<16xf32>
      %convert_element_type3A_254 = arith.extui %lt3A_253 : vector<16xi1> to vector<16xi32>
      %add3A_255 = arith.addi %convert_element_type3A_251, %convert_element_type3A_254 : vector<16xi32>
      %shift_left3A_256 = arith.constant 4 : i32
      %shift_left3A_257 = vector.broadcast %shift_left3A_256 : i32 to vector<16xi32>
      %shift_left3A_258 = arith.shli %add3A_255, %shift_left3A_257 : vector<16xi32>
      %add3A_259 = arith.addi %shift_left3A_258, %add3A_9 : vector<16xi32>
      tpu.vector_store_idx %arg5[%add3A_259], %broadcast_in_dim3A_6 {add = true} : memref<512xf32, #tpu.memory_space<vmem>>[vector<16xi32>], vector<16xf32>,
      %add3A_260 = arith.constant 160 : i32
      %add3A_261 = vector.broadcast %add3A_260 : i32 to vector<16xi32>
      %add3A_262 = arith.addi %add3A_28, %add3A_261 : vector<16xi32>
      %gather3A_263 = tpu.vector_load_idx %arg4[%add3A_262] : memref<960xf32, #tpu.memory_space<vmem>>[vector<16xi32>], vector<16xf32>,
      %mul3A_264 = arith.constant 8.000000e+00 : f32
      %mul3A_265 = vector.broadcast %mul3A_264 : f32 to vector<16xf32>
      %mul3A_266 = arith.mulf %gather3A_263, %mul3A_265 : vector<16xf32>
      %max3A_267 = arith.constant -1.600000e+01 : f32
      %max3A_268 = vector.broadcast %max3A_267 : f32 to vector<16xf32>
      %max3A_269 = arith.maximumf %mul3A_266, %max3A_268 : vector<16xf32>
      %min3A_270 = arith.constant 1.500000e+01 : f32
      %min3A_271 = vector.broadcast %min3A_270 : f32 to vector<16xf32>
      %min3A_272 = arith.minimumf %max3A_269, %min3A_271 : vector<16xf32>
      %convert_element_type3A_273 = arith.fptosi %min3A_272 : vector<16xf32> to vector<16xi32>
      %convert_element_type3A_274 = arith.sitofp %convert_element_type3A_273 : vector<16xi32> to vector<16xf32>
      %lt3A_275 = arith.cmpf olt, %convert_element_type3A_274, %min3A_272 : vector<16xf32>
      %convert_element_type3A_276 = arith.extui %lt3A_275 : vector<16xi1> to vector<16xi32>
      %add3A_277 = arith.addi %convert_element_type3A_273, %convert_element_type3A_276 : vector<16xi32>
      %shift_left3A_278 = arith.constant 4 : i32
      %shift_left3A_279 = vector.broadcast %shift_left3A_278 : i32 to vector<16xi32>
      %shift_left3A_280 = arith.shli %add3A_277, %shift_left3A_279 : vector<16xi32>
      %add3A_281 = arith.addi %shift_left3A_280, %add3A_9 : vector<16xi32>
      tpu.vector_store_idx %arg5[%add3A_281], %broadcast_in_dim3A_6 {add = true} : memref<512xf32, #tpu.memory_space<vmem>>[vector<16xi32>], vector<16xf32>,
      %add3A_282 = arith.constant 161 : i32
      %add3A_283 = vector.broadcast %add3A_282 : i32 to vector<16xi32>
      %add3A_284 = arith.addi %add3A_28, %add3A_283 : vector<16xi32>
      %gather3A_285 = tpu.vector_load_idx %arg4[%add3A_284] : memref<960xf32, #tpu.memory_space<vmem>>[vector<16xi32>], vector<16xf32>,
      %mul3A_286 = arith.constant 8.000000e+00 : f32
      %mul3A_287 = vector.broadcast %mul3A_286 : f32 to vector<16xf32>
      %mul3A_288 = arith.mulf %gather3A_285, %mul3A_287 : vector<16xf32>
      %max3A_289 = arith.constant -1.600000e+01 : f32
      %max3A_290 = vector.broadcast %max3A_289 : f32 to vector<16xf32>
      %max3A_291 = arith.maximumf %mul3A_288, %max3A_290 : vector<16xf32>
      %min3A_292 = arith.constant 1.500000e+01 : f32
      %min3A_293 = vector.broadcast %min3A_292 : f32 to vector<16xf32>
      %min3A_294 = arith.minimumf %max3A_291, %min3A_293 : vector<16xf32>
      %convert_element_type3A_295 = arith.fptosi %min3A_294 : vector<16xf32> to vector<16xi32>
      %convert_element_type3A_296 = arith.sitofp %convert_element_type3A_295 : vector<16xi32> to vector<16xf32>
      %lt3A_297 = arith.cmpf olt, %convert_element_type3A_296, %min3A_294 : vector<16xf32>
      %convert_element_type3A_298 = arith.extui %lt3A_297 : vector<16xi1> to vector<16xi32>
      %add3A_299 = arith.addi %convert_element_type3A_295, %convert_element_type3A_298 : vector<16xi32>
      %shift_left3A_300 = arith.constant 4 : i32
      %shift_left3A_301 = vector.broadcast %shift_left3A_300 : i32 to vector<16xi32>
      %shift_left3A_302 = arith.shli %add3A_299, %shift_left3A_301 : vector<16xi32>
      %add3A_303 = arith.addi %shift_left3A_302, %add3A_9 : vector<16xi32>
      tpu.vector_store_idx %arg5[%add3A_303], %broadcast_in_dim3A_6 {add = true} : memref<512xf32, #tpu.memory_space<vmem>>[vector<16xi32>], vector<16xf32>,
      %add3A_304 = arith.constant 162 : i32
      %add3A_305 = vector.broadcast %add3A_304 : i32 to vector<16xi32>
      %add3A_306 = arith.addi %add3A_28, %add3A_305 : vector<16xi32>
      %gather3A_307 = tpu.vector_load_idx %arg4[%add3A_306] : memref<960xf32, #tpu.memory_space<vmem>>[vector<16xi32>], vector<16xf32>,
      %mul3A_308 = arith.constant 8.000000e+00 : f32
      %mul3A_309 = vector.broadcast %mul3A_308 : f32 to vector<16xf32>
      %mul3A_310 = arith.mulf %gather3A_307, %mul3A_309 : vector<16xf32>
      %max3A_311 = arith.constant -1.600000e+01 : f32
      %max3A_312 = vector.broadcast %max3A_311 : f32 to vector<16xf32>
      %max3A_313 = arith.maximumf %mul3A_310, %max3A_312 : vector<16xf32>
      %min3A_314 = arith.constant 1.500000e+01 : f32
      %min3A_315 = vector.broadcast %min3A_314 : f32 to vector<16xf32>
      %min3A_316 = arith.minimumf %max3A_313, %min3A_315 : vector<16xf32>
      %convert_element_type3A_317 = arith.fptosi %min3A_316 : vector<16xf32> to vector<16xi32>
      %convert_element_type3A_318 = arith.sitofp %convert_element_type3A_317 : vector<16xi32> to vector<16xf32>
      %lt3A_319 = arith.cmpf olt, %convert_element_type3A_318, %min3A_316 : vector<16xf32>
      %convert_element_type3A_320 = arith.extui %lt3A_319 : vector<16xi1> to vector<16xi32>
      %add3A_321 = arith.addi %convert_element_type3A_317, %convert_element_type3A_320 : vector<16xi32>
      %shift_left3A_322 = arith.constant 4 : i32
      %shift_left3A_323 = vector.broadcast %shift_left3A_322 : i32 to vector<16xi32>
      %shift_left3A_324 = arith.shli %add3A_321, %shift_left3A_323 : vector<16xi32>
      %add3A_325 = arith.addi %shift_left3A_324, %add3A_9 : vector<16xi32>
      tpu.vector_store_idx %arg5[%add3A_325], %broadcast_in_dim3A_6 {add = true} : memref<512xf32, #tpu.memory_space<vmem>>[vector<16xi32>], vector<16xf32>,
      %add3A_326 = arith.constant 163 : i32
      %add3A_327 = vector.broadcast %add3A_326 : i32 to vector<16xi32>
      %add3A_328 = arith.addi %add3A_28, %add3A_327 : vector<16xi32>
      %gather3A_329 = tpu.vector_load_idx %arg4[%add3A_328] : memref<960xf32, #tpu.memory_space<vmem>>[vector<16xi32>], vector<16xf32>,
      %mul3A_330 = arith.constant 8.000000e+00 : f32
      %mul3A_331 = vector.broadcast %mul3A_330 : f32 to vector<16xf32>
      %mul3A_332 = arith.mulf %gather3A_329, %mul3A_331 : vector<16xf32>
      %max3A_333 = arith.constant -1.600000e+01 : f32
      %max3A_334 = vector.broadcast %max3A_333 : f32 to vector<16xf32>
      %max3A_335 = arith.maximumf %mul3A_332, %max3A_334 : vector<16xf32>
      %min3A_336 = arith.constant 1.500000e+01 : f32
      %min3A_337 = vector.broadcast %min3A_336 : f32 to vector<16xf32>
      %min3A_338 = arith.minimumf %max3A_335, %min3A_337 : vector<16xf32>
      %convert_element_type3A_339 = arith.fptosi %min3A_338 : vector<16xf32> to vector<16xi32>
      %convert_element_type3A_340 = arith.sitofp %convert_element_type3A_339 : vector<16xi32> to vector<16xf32>
      %lt3A_341 = arith.cmpf olt, %convert_element_type3A_340, %min3A_338 : vector<16xf32>
      %convert_element_type3A_342 = arith.extui %lt3A_341 : vector<16xi1> to vector<16xi32>
      %add3A_343 = arith.addi %convert_element_type3A_339, %convert_element_type3A_342 : vector<16xi32>
      %shift_left3A_344 = arith.constant 4 : i32
      %shift_left3A_345 = vector.broadcast %shift_left3A_344 : i32 to vector<16xi32>
      %shift_left3A_346 = arith.shli %add3A_343, %shift_left3A_345 : vector<16xi32>
      %add3A_347 = arith.addi %shift_left3A_346, %add3A_9 : vector<16xi32>
      tpu.vector_store_idx %arg5[%add3A_347], %broadcast_in_dim3A_6 {add = true} : memref<512xf32, #tpu.memory_space<vmem>>[vector<16xi32>], vector<16xf32>,
      %add3A_348 = arith.constant 164 : i32
      %add3A_349 = vector.broadcast %add3A_348 : i32 to vector<16xi32>
      %add3A_350 = arith.addi %add3A_28, %add3A_349 : vector<16xi32>
      %gather3A_351 = tpu.vector_load_idx %arg4[%add3A_350] : memref<960xf32, #tpu.memory_space<vmem>>[vector<16xi32>], vector<16xf32>,
      %mul3A_352 = arith.constant 8.000000e+00 : f32
      %mul3A_353 = vector.broadcast %mul3A_352 : f32 to vector<16xf32>
      %mul3A_354 = arith.mulf %gather3A_351, %mul3A_353 : vector<16xf32>
      %max3A_355 = arith.constant -1.600000e+01 : f32
      %max3A_356 = vector.broadcast %max3A_355 : f32 to vector<16xf32>
      %max3A_357 = arith.maximumf %mul3A_354, %max3A_356 : vector<16xf32>
      %min3A_358 = arith.constant 1.500000e+01 : f32
      %min3A_359 = vector.broadcast %min3A_358 : f32 to vector<16xf32>
      %min3A_360 = arith.minimumf %max3A_357, %min3A_359 : vector<16xf32>
      %convert_element_type3A_361 = arith.fptosi %min3A_360 : vector<16xf32> to vector<16xi32>
      %convert_element_type3A_362 = arith.sitofp %convert_element_type3A_361 : vector<16xi32> to vector<16xf32>
      %lt3A_363 = arith.cmpf olt, %convert_element_type3A_362, %min3A_360 : vector<16xf32>
      %convert_element_type3A_364 = arith.extui %lt3A_363 : vector<16xi1> to vector<16xi32>
      %add3A_365 = arith.addi %convert_element_type3A_361, %convert_element_type3A_364 : vector<16xi32>
      %shift_left3A_366 = arith.constant 4 : i32
      %shift_left3A_367 = vector.broadcast %shift_left3A_366 : i32 to vector<16xi32>
      %shift_left3A_368 = arith.shli %add3A_365, %shift_left3A_367 : vector<16xi32>
      %add3A_369 = arith.addi %shift_left3A_368, %add3A_9 : vector<16xi32>
      tpu.vector_store_idx %arg5[%add3A_369], %broadcast_in_dim3A_6 {add = true} : memref<512xf32, #tpu.memory_space<vmem>>[vector<16xi32>], vector<16xf32>,
      %add3A_370 = arith.constant 320 : i32
      %add3A_371 = vector.broadcast %add3A_370 : i32 to vector<16xi32>
      %add3A_372 = arith.addi %add3A_28, %add3A_371 : vector<16xi32>
      %gather3A_373 = tpu.vector_load_idx %arg4[%add3A_372] : memref<960xf32, #tpu.memory_space<vmem>>[vector<16xi32>], vector<16xf32>,
      %mul3A_374 = arith.constant 8.000000e+00 : f32
      %mul3A_375 = vector.broadcast %mul3A_374 : f32 to vector<16xf32>
      %mul3A_376 = arith.mulf %gather3A_373, %mul3A_375 : vector<16xf32>
      %max3A_377 = arith.constant -1.600000e+01 : f32
      %max3A_378 = vector.broadcast %max3A_377 : f32 to vector<16xf32>
      %max3A_379 = arith.maximumf %mul3A_376, %max3A_378 : vector<16xf32>
      %min3A_380 = arith.constant 1.500000e+01 : f32
      %min3A_381 = vector.broadcast %min3A_380 : f32 to vector<16xf32>
      %min3A_382 = arith.minimumf %max3A_379, %min3A_381 : vector<16xf32>
      %convert_element_type3A_383 = arith.fptosi %min3A_382 : vector<16xf32> to vector<16xi32>
      %convert_element_type3A_384 = arith.sitofp %convert_element_type3A_383 : vector<16xi32> to vector<16xf32>
      %lt3A_385 = arith.cmpf olt, %convert_element_type3A_384, %min3A_382 : vector<16xf32>
      %convert_element_type3A_386 = arith.extui %lt3A_385 : vector<16xi1> to vector<16xi32>
      %add3A_387 = arith.addi %convert_element_type3A_383, %convert_element_type3A_386 : vector<16xi32>
      %shift_left3A_388 = arith.constant 4 : i32
      %shift_left3A_389 = vector.broadcast %shift_left3A_388 : i32 to vector<16xi32>
      %shift_left3A_390 = arith.shli %add3A_387, %shift_left3A_389 : vector<16xi32>
      %add3A_391 = arith.addi %shift_left3A_390, %add3A_9 : vector<16xi32>
      tpu.vector_store_idx %arg5[%add3A_391], %broadcast_in_dim3A_6 {add = true} : memref<512xf32, #tpu.memory_space<vmem>>[vector<16xi32>], vector<16xf32>,
      %add3A_392 = arith.constant 321 : i32
      %add3A_393 = vector.broadcast %add3A_392 : i32 to vector<16xi32>
      %add3A_394 = arith.addi %add3A_28, %add3A_393 : vector<16xi32>
      %gather3A_395 = tpu.vector_load_idx %arg4[%add3A_394] : memref<960xf32, #tpu.memory_space<vmem>>[vector<16xi32>], vector<16xf32>,
      %mul3A_396 = arith.constant 8.000000e+00 : f32
      %mul3A_397 = vector.broadcast %mul3A_396 : f32 to vector<16xf32>
      %mul3A_398 = arith.mulf %gather3A_395, %mul3A_397 : vector<16xf32>
      %max3A_399 = arith.constant -1.600000e+01 : f32
      %max3A_400 = vector.broadcast %max3A_399 : f32 to vector<16xf32>
      %max3A_401 = arith.maximumf %mul3A_398, %max3A_400 : vector<16xf32>
      %min3A_402 = arith.constant 1.500000e+01 : f32
      %min3A_403 = vector.broadcast %min3A_402 : f32 to vector<16xf32>
      %min3A_404 = arith.minimumf %max3A_401, %min3A_403 : vector<16xf32>
      %convert_element_type3A_405 = arith.fptosi %min3A_404 : vector<16xf32> to vector<16xi32>
      %convert_element_type3A_406 = arith.sitofp %convert_element_type3A_405 : vector<16xi32> to vector<16xf32>
      %lt3A_407 = arith.cmpf olt, %convert_element_type3A_406, %min3A_404 : vector<16xf32>
      %convert_element_type3A_408 = arith.extui %lt3A_407 : vector<16xi1> to vector<16xi32>
      %add3A_409 = arith.addi %convert_element_type3A_405, %convert_element_type3A_408 : vector<16xi32>
      %shift_left3A_410 = arith.constant 4 : i32
      %shift_left3A_411 = vector.broadcast %shift_left3A_410 : i32 to vector<16xi32>
      %shift_left3A_412 = arith.shli %add3A_409, %shift_left3A_411 : vector<16xi32>
      %add3A_413 = arith.addi %shift_left3A_412, %add3A_9 : vector<16xi32>
      tpu.vector_store_idx %arg5[%add3A_413], %broadcast_in_dim3A_6 {add = true} : memref<512xf32, #tpu.memory_space<vmem>>[vector<16xi32>], vector<16xf32>,
      %add3A_414 = arith.constant 322 : i32
      %add3A_415 = vector.broadcast %add3A_414 : i32 to vector<16xi32>
      %add3A_416 = arith.addi %add3A_28, %add3A_415 : vector<16xi32>
      %gather3A_417 = tpu.vector_load_idx %arg4[%add3A_416] : memref<960xf32, #tpu.memory_space<vmem>>[vector<16xi32>], vector<16xf32>,
      %mul3A_418 = arith.constant 8.000000e+00 : f32
      %mul3A_419 = vector.broadcast %mul3A_418 : f32 to vector<16xf32>
      %mul3A_420 = arith.mulf %gather3A_417, %mul3A_419 : vector<16xf32>
      %max3A_421 = arith.constant -1.600000e+01 : f32
      %max3A_422 = vector.broadcast %max3A_421 : f32 to vector<16xf32>
      %max3A_423 = arith.maximumf %mul3A_420, %max3A_422 : vector<16xf32>
      %min3A_424 = arith.constant 1.500000e+01 : f32
      %min3A_425 = vector.broadcast %min3A_424 : f32 to vector<16xf32>
      %min3A_426 = arith.minimumf %max3A_423, %min3A_425 : vector<16xf32>
      %convert_element_type3A_427 = arith.fptosi %min3A_426 : vector<16xf32> to vector<16xi32>
      %convert_element_type3A_428 = arith.sitofp %convert_element_type3A_427 : vector<16xi32> to vector<16xf32>
      %lt3A_429 = arith.cmpf olt, %convert_element_type3A_428, %min3A_426 : vector<16xf32>
      %convert_element_type3A_430 = arith.extui %lt3A_429 : vector<16xi1> to vector<16xi32>
      %add3A_431 = arith.addi %convert_element_type3A_427, %convert_element_type3A_430 : vector<16xi32>
      %shift_left3A_432 = arith.constant 4 : i32
      %shift_left3A_433 = vector.broadcast %shift_left3A_432 : i32 to vector<16xi32>
      %shift_left3A_434 = arith.shli %add3A_431, %shift_left3A_433 : vector<16xi32>
      %add3A_435 = arith.addi %shift_left3A_434, %add3A_9 : vector<16xi32>
      tpu.vector_store_idx %arg5[%add3A_435], %broadcast_in_dim3A_6 {add = true} : memref<512xf32, #tpu.memory_space<vmem>>[vector<16xi32>], vector<16xf32>,
      %add3A_436 = arith.constant 323 : i32
      %add3A_437 = vector.broadcast %add3A_436 : i32 to vector<16xi32>
      %add3A_438 = arith.addi %add3A_28, %add3A_437 : vector<16xi32>
      %gather3A_439 = tpu.vector_load_idx %arg4[%add3A_438] : memref<960xf32, #tpu.memory_space<vmem>>[vector<16xi32>], vector<16xf32>,
      %mul3A_440 = arith.constant 8.000000e+00 : f32
      %mul3A_441 = vector.broadcast %mul3A_440 : f32 to vector<16xf32>
      %mul3A_442 = arith.mulf %gather3A_439, %mul3A_441 : vector<16xf32>
      %max3A_443 = arith.constant -1.600000e+01 : f32
      %max3A_444 = vector.broadcast %max3A_443 : f32 to vector<16xf32>
      %max3A_445 = arith.maximumf %mul3A_442, %max3A_444 : vector<16xf32>
      %min3A_446 = arith.constant 1.500000e+01 : f32
      %min3A_447 = vector.broadcast %min3A_446 : f32 to vector<16xf32>
      %min3A_448 = arith.minimumf %max3A_445, %min3A_447 : vector<16xf32>
      %convert_element_type3A_449 = arith.fptosi %min3A_448 : vector<16xf32> to vector<16xi32>
      %convert_element_type3A_450 = arith.sitofp %convert_element_type3A_449 : vector<16xi32> to vector<16xf32>
      %lt3A_451 = arith.cmpf olt, %convert_element_type3A_450, %min3A_448 : vector<16xf32>
      %convert_element_type3A_452 = arith.extui %lt3A_451 : vector<16xi1> to vector<16xi32>
      %add3A_453 = arith.addi %convert_element_type3A_449, %convert_element_type3A_452 : vector<16xi32>
      %shift_left3A_454 = arith.constant 4 : i32
      %shift_left3A_455 = vector.broadcast %shift_left3A_454 : i32 to vector<16xi32>
      %shift_left3A_456 = arith.shli %add3A_453, %shift_left3A_455 : vector<16xi32>
      %add3A_457 = arith.addi %shift_left3A_456, %add3A_9 : vector<16xi32>
      tpu.vector_store_idx %arg5[%add3A_457], %broadcast_in_dim3A_6 {add = true} : memref<512xf32, #tpu.memory_space<vmem>>[vector<16xi32>], vector<16xf32>,
      %add3A_458 = arith.constant 324 : i32
      %add3A_459 = vector.broadcast %add3A_458 : i32 to vector<16xi32>
      %add3A_460 = arith.addi %add3A_28, %add3A_459 : vector<16xi32>
      %gather3A_461 = tpu.vector_load_idx %arg4[%add3A_460] : memref<960xf32, #tpu.memory_space<vmem>>[vector<16xi32>], vector<16xf32>,
      %mul3A_462 = arith.constant 8.000000e+00 : f32
      %mul3A_463 = vector.broadcast %mul3A_462 : f32 to vector<16xf32>
      %mul3A_464 = arith.mulf %gather3A_461, %mul3A_463 : vector<16xf32>
      %max3A_465 = arith.constant -1.600000e+01 : f32
      %max3A_466 = vector.broadcast %max3A_465 : f32 to vector<16xf32>
      %max3A_467 = arith.maximumf %mul3A_464, %max3A_466 : vector<16xf32>
      %min3A_468 = arith.constant 1.500000e+01 : f32
      %min3A_469 = vector.broadcast %min3A_468 : f32 to vector<16xf32>
      %min3A_470 = arith.minimumf %max3A_467, %min3A_469 : vector<16xf32>
      %convert_element_type3A_471 = arith.fptosi %min3A_470 : vector<16xf32> to vector<16xi32>
      %convert_element_type3A_472 = arith.sitofp %convert_element_type3A_471 : vector<16xi32> to vector<16xf32>
      %lt3A_473 = arith.cmpf olt, %convert_element_type3A_472, %min3A_470 : vector<16xf32>
      %convert_element_type3A_474 = arith.extui %lt3A_473 : vector<16xi1> to vector<16xi32>
      %add3A_475 = arith.addi %convert_element_type3A_471, %convert_element_type3A_474 : vector<16xi32>
      %shift_left3A_476 = arith.constant 4 : i32
      %shift_left3A_477 = vector.broadcast %shift_left3A_476 : i32 to vector<16xi32>
      %shift_left3A_478 = arith.shli %add3A_475, %shift_left3A_477 : vector<16xi32>
      %add3A_479 = arith.addi %shift_left3A_478, %add3A_9 : vector<16xi32>
      tpu.vector_store_idx %arg5[%add3A_479], %broadcast_in_dim3A_6 {add = true} : memref<512xf32, #tpu.memory_space<vmem>>[vector<16xi32>], vector<16xf32>,
      %get3A = arith.constant 0 : index
      %get3A_480 = tpu.vector_load %arg5[%get3A] {strides = array<i32>} : memref<512xf32, #tpu.memory_space<vmem>>, vector<16xf32>,
      %get3A_481 = arith.constant 16 : index
      %get3A_482 = tpu.vector_load %arg5[%get3A_481] {strides = array<i32>} : memref<512xf32, #tpu.memory_space<vmem>>, vector<16xf32>,
      %max3A_483 = arith.maximumf %get3A_480, %get3A_482 : vector<16xf32>
      %get3A_484 = arith.constant 32 : index
      %get3A_485 = tpu.vector_load %arg5[%get3A_484] {strides = array<i32>} : memref<512xf32, #tpu.memory_space<vmem>>, vector<16xf32>,
      %max3A_486 = arith.maximumf %max3A_483, %get3A_485 : vector<16xf32>
      %get3A_487 = arith.constant 48 : index
      %get3A_488 = tpu.vector_load %arg5[%get3A_487] {strides = array<i32>} : memref<512xf32, #tpu.memory_space<vmem>>, vector<16xf32>,
      %max3A_489 = arith.maximumf %max3A_486, %get3A_488 : vector<16xf32>
      %get3A_490 = arith.constant 64 : index
      %get3A_491 = tpu.vector_load %arg5[%get3A_490] {strides = array<i32>} : memref<512xf32, #tpu.memory_space<vmem>>, vector<16xf32>,
      %max3A_492 = arith.maximumf %max3A_489, %get3A_491 : vector<16xf32>
      %get3A_493 = arith.constant 80 : index
      %get3A_494 = tpu.vector_load %arg5[%get3A_493] {strides = array<i32>} : memref<512xf32, #tpu.memory_space<vmem>>, vector<16xf32>,
      %max3A_495 = arith.maximumf %max3A_492, %get3A_494 : vector<16xf32>
      %get3A_496 = arith.constant 96 : index
      %get3A_497 = tpu.vector_load %arg5[%get3A_496] {strides = array<i32>} : memref<512xf32, #tpu.memory_space<vmem>>, vector<16xf32>,
      %max3A_498 = arith.maximumf %max3A_495, %get3A_497 : vector<16xf32>
      %get3A_499 = arith.constant 112 : index
      %get3A_500 = tpu.vector_load %arg5[%get3A_499] {strides = array<i32>} : memref<512xf32, #tpu.memory_space<vmem>>, vector<16xf32>,
      %max3A_501 = arith.maximumf %max3A_498, %get3A_500 : vector<16xf32>
      %get3A_502 = arith.constant 128 : index
      %get3A_503 = tpu.vector_load %arg5[%get3A_502] {strides = array<i32>} : memref<512xf32, #tpu.memory_space<vmem>>, vector<16xf32>,
      %max3A_504 = arith.maximumf %max3A_501, %get3A_503 : vector<16xf32>
      %get3A_505 = arith.constant 144 : index
      %get3A_506 = tpu.vector_load %arg5[%get3A_505] {strides = array<i32>} : memref<512xf32, #tpu.memory_space<vmem>>, vector<16xf32>,
      %max3A_507 = arith.maximumf %max3A_504, %get3A_506 : vector<16xf32>
      %get3A_508 = arith.constant 160 : index
      %get3A_509 = tpu.vector_load %arg5[%get3A_508] {strides = array<i32>} : memref<512xf32, #tpu.memory_space<vmem>>, vector<16xf32>,
      %max3A_510 = arith.maximumf %max3A_507, %get3A_509 : vector<16xf32>
      %get3A_511 = arith.constant 176 : index
      %get3A_512 = tpu.vector_load %arg5[%get3A_511] {strides = array<i32>} : memref<512xf32, #tpu.memory_space<vmem>>, vector<16xf32>,
      %max3A_513 = arith.maximumf %max3A_510, %get3A_512 : vector<16xf32>
      %get3A_514 = arith.constant 192 : index
      %get3A_515 = tpu.vector_load %arg5[%get3A_514] {strides = array<i32>} : memref<512xf32, #tpu.memory_space<vmem>>, vector<16xf32>,
      %max3A_516 = arith.maximumf %max3A_513, %get3A_515 : vector<16xf32>
      %get3A_517 = arith.constant 208 : index
      %get3A_518 = tpu.vector_load %arg5[%get3A_517] {strides = array<i32>} : memref<512xf32, #tpu.memory_space<vmem>>, vector<16xf32>,
      %max3A_519 = arith.maximumf %max3A_516, %get3A_518 : vector<16xf32>
      %get3A_520 = arith.constant 224 : index
      %get3A_521 = tpu.vector_load %arg5[%get3A_520] {strides = array<i32>} : memref<512xf32, #tpu.memory_space<vmem>>, vector<16xf32>,
      %max3A_522 = arith.maximumf %max3A_519, %get3A_521 : vector<16xf32>
      %get3A_523 = arith.constant 240 : index
      %get3A_524 = tpu.vector_load %arg5[%get3A_523] {strides = array<i32>} : memref<512xf32, #tpu.memory_space<vmem>>, vector<16xf32>,
      %max3A_525 = arith.maximumf %max3A_522, %get3A_524 : vector<16xf32>
      %get3A_526 = arith.constant 256 : index
      %get3A_527 = tpu.vector_load %arg5[%get3A_526] {strides = array<i32>} : memref<512xf32, #tpu.memory_space<vmem>>, vector<16xf32>,
      %max3A_528 = arith.maximumf %max3A_525, %get3A_527 : vector<16xf32>
      %get3A_529 = arith.constant 272 : index
      %get3A_530 = tpu.vector_load %arg5[%get3A_529] {strides = array<i32>} : memref<512xf32, #tpu.memory_space<vmem>>, vector<16xf32>,
      %max3A_531 = arith.maximumf %max3A_528, %get3A_530 : vector<16xf32>
      %get3A_532 = arith.constant 288 : index
      %get3A_533 = tpu.vector_load %arg5[%get3A_532] {strides = array<i32>} : memref<512xf32, #tpu.memory_space<vmem>>, vector<16xf32>,
      %max3A_534 = arith.maximumf %max3A_531, %get3A_533 : vector<16xf32>
      %get3A_535 = arith.constant 304 : index
      %get3A_536 = tpu.vector_load %arg5[%get3A_535] {strides = array<i32>} : memref<512xf32, #tpu.memory_space<vmem>>, vector<16xf32>,
      %max3A_537 = arith.maximumf %max3A_534, %get3A_536 : vector<16xf32>
      %get3A_538 = arith.constant 320 : index
      %get3A_539 = tpu.vector_load %arg5[%get3A_538] {strides = array<i32>} : memref<512xf32, #tpu.memory_space<vmem>>, vector<16xf32>,
      %max3A_540 = arith.maximumf %max3A_537, %get3A_539 : vector<16xf32>
      %get3A_541 = arith.constant 336 : index
      %get3A_542 = tpu.vector_load %arg5[%get3A_541] {strides = array<i32>} : memref<512xf32, #tpu.memory_space<vmem>>, vector<16xf32>,
      %max3A_543 = arith.maximumf %max3A_540, %get3A_542 : vector<16xf32>
      %get3A_544 = arith.constant 352 : index
      %get3A_545 = tpu.vector_load %arg5[%get3A_544] {strides = array<i32>} : memref<512xf32, #tpu.memory_space<vmem>>, vector<16xf32>,
      %max3A_546 = arith.maximumf %max3A_543, %get3A_545 : vector<16xf32>
      %get3A_547 = arith.constant 368 : index
      %get3A_548 = tpu.vector_load %arg5[%get3A_547] {strides = array<i32>} : memref<512xf32, #tpu.memory_space<vmem>>, vector<16xf32>,
      %max3A_549 = arith.maximumf %max3A_546, %get3A_548 : vector<16xf32>
      %get3A_550 = arith.constant 384 : index
      %get3A_551 = tpu.vector_load %arg5[%get3A_550] {strides = array<i32>} : memref<512xf32, #tpu.memory_space<vmem>>, vector<16xf32>,
      %max3A_552 = arith.maximumf %max3A_549, %get3A_551 : vector<16xf32>
      %get3A_553 = arith.constant 400 : index
      %get3A_554 = tpu.vector_load %arg5[%get3A_553] {strides = array<i32>} : memref<512xf32, #tpu.memory_space<vmem>>, vector<16xf32>,
      %max3A_555 = arith.maximumf %max3A_552, %get3A_554 : vector<16xf32>
      %get3A_556 = arith.constant 416 : index
      %get3A_557 = tpu.vector_load %arg5[%get3A_556] {strides = array<i32>} : memref<512xf32, #tpu.memory_space<vmem>>, vector<16xf32>,
      %max3A_558 = arith.maximumf %max3A_555, %get3A_557 : vector<16xf32>
      %get3A_559 = arith.constant 432 : index
      %get3A_560 = tpu.vector_load %arg5[%get3A_559] {strides = array<i32>} : memref<512xf32, #tpu.memory_space<vmem>>, vector<16xf32>,
      %max3A_561 = arith.maximumf %max3A_558, %get3A_560 : vector<16xf32>
      %get3A_562 = arith.constant 448 : index
      %get3A_563 = tpu.vector_load %arg5[%get3A_562] {strides = array<i32>} : memref<512xf32, #tpu.memory_space<vmem>>, vector<16xf32>,
      %max3A_564 = arith.maximumf %max3A_561, %get3A_563 : vector<16xf32>
      %get3A_565 = arith.constant 464 : index
      %get3A_566 = tpu.vector_load %arg5[%get3A_565] {strides = array<i32>} : memref<512xf32, #tpu.memory_space<vmem>>, vector<16xf32>,
      %max3A_567 = arith.maximumf %max3A_564, %get3A_566 : vector<16xf32>
      %get3A_568 = arith.constant 480 : index
      %get3A_569 = tpu.vector_load %arg5[%get3A_568] {strides = array<i32>} : memref<512xf32, #tpu.memory_space<vmem>>, vector<16xf32>,
      %max3A_570 = arith.maximumf %max3A_567, %get3A_569 : vector<16xf32>
      %get3A_571 = arith.constant 496 : index
      %get3A_572 = tpu.vector_load %arg5[%get3A_571] {strides = array<i32>} : memref<512xf32, #tpu.memory_space<vmem>>, vector<16xf32>,
      %max3A_573 = arith.maximumf %max3A_570, %get3A_572 : vector<16xf32>
      %convert_element_type3A_574 = arith.fptosi %max3A_573 : vector<16xf32> to vector<16xi32>
      %and3A_575 = arith.constant 31 : i32
      %and3A_576 = vector.broadcast %and3A_575 : i32 to vector<16xi32>
      %and3A_577 = arith.andi %convert_element_type3A_574, %and3A_576 : vector<16xi32>
      %sub3A = arith.constant 31 : i32
      %sub3A_578 = vector.broadcast %sub3A : i32 to vector<16xi32>
      %sub3A_579 = arith.subi %sub3A_578, %and3A_577 : vector<16xi32>
      %convert_element_type3A_580 = arith.sitofp %sub3A_579 : vector<16xi32> to vector<16xf32>
      %mul3A_581 = arith.constant 16 : i32
      %mul3A_582 = arith.muli %scan3A_19, %mul3A_581 : i32
      %swap3A_583 = arith.index_cast %mul3A_582 : i32 to index
      %swap3A_584 = tpu.vector_load %arg6[%swap3A_583] {strides = array<i32>} : memref<64xf32, #tpu.memory_space<vmem>>, vector<16xf32>,
      tpu.vector_store %arg6[%swap3A_583], %convert_element_type3A_580 {strides = array<i32>} : memref<64xf32, #tpu.memory_space<vmem>>, vector<16xf32>,
    }
    %scan3A_14 = arith.constant 4 : i32
    %mul3A_15 = arith.constant 2 : i32
    %mul3A_16 = arith.muli %add3A, %mul3A_15 : i32
    %mul3A_17 = arith.constant 32 : i32
    %mul3A_18 = arith.muli %mul3A_16, %mul3A_17 : i32
    "tpu.region"() ({
      %run_scoped3A = tpu.sem_alloc : memref<!tpu.dma_semaphore, #tpu.memory_space<semaphore_mem>>
      %dma_start3A = tpu.memref_slice %arg3[%mul3A_18] : memref<2048xf32, #tpu.memory_space<hbm>> -> memref<64xf32, #tpu.memory_space<hbm>>
      %dma_start3A_19 = tpu.memref_slice %arg3[%mul3A_18] : memref<2048xf32, #tpu.memory_space<hbm>> -> memref<64xf32, #tpu.memory_space<hbm>>
      tpu.enqueue_dma source(%arg6 : memref<64xf32, #tpu.memory_space<vmem>>) target(%dma_start3A_19 : memref<64xf32, #tpu.memory_space<hbm>>) target_semaphore(%run_scoped3A : memref<!tpu.dma_semaphore, #tpu.memory_space<semaphore_mem>>)
      %dma_wait3A = tpu.memref_slice %arg3[%mul3A_18] : memref<2048xf32, #tpu.memory_space<hbm>> -> memref<64xf32, #tpu.memory_space<hbm>>
      %dma_wait3A_20 = tpu.memref_slice %arg3[%mul3A_18] : memref<2048xf32, #tpu.memory_space<hbm>> -> memref<64xf32, #tpu.memory_space<hbm>>
      tpu.wait_dma2 semaphore(%run_scoped3A : memref<!tpu.dma_semaphore, #tpu.memory_space<semaphore_mem>>) src(%arg6 : memref<64xf32, #tpu.memory_space<vmem>>) dst(%dma_wait3A_20 : memref<64xf32, #tpu.memory_space<hbm>>)
      tpu.yield
    }) : () -> ()
    return
  }
}

</mosaic_0001>

<sc_bundles>
// kernel: kernel.3.cloned.1.call-start
scs
__scs_entry_jumppad:
0x0: {  	(pc) =	sbr.rel $0x88, $3  }
0x1: {  	(tag) =	ssettag $0x0;
	lr =	simm.s32 $0x1  }
0x2: {  	[smem:$0x3FA0] =	sst lr;
	_ =	strace $0xD0000000  }
0x3: {  	_ = 	snop  }
0x4: {  	_ = 	snop  }
0x5: {  	_ = 	snop  }
0x6: {  	_ = 	snop  }
0x7: {  	_ = 	snop  }
__scs_overlays_trampoline_lowered:
0x8: {  	[smem:$0x3FAF] =	sst s0  }
0x9: {  	[smem:$0x3FB0] =	sst s1  }
0xa: {  	[smem:$0x3FB1] =	sst s2  }
0xb: {  	[smem:$0x3FB2] =	sst s3  }
0xc: {  	[smem:$0x3FB3] =	sst s4  }
0xd: {  	[smem:$0x3FB4] =	sst s5  }
0xe: {  	[smem:$0x3FB5] =	sst s6  }
0xf: {  	[smem:$0x3FB6] =	sst s7  }
0x10: {  	[smem:$0x3FB7] =	sst s8  }
0x11: {  	[smem:$0x3FB8] =	sst s9;
	s0 =	simm.s32 @!p0 $0x0  }
0x12: {  	s1 =	sld [smem:$0x3F9E];
	s0 =	simm.s32 @p0 $0x1  }
0x13: {  	[smem:$0x3FB9] =	sst s0;
	s0 =	simm.s32 @!p1 $0x0  }
0x14: {  	s2 =	sld [smem:$0x3F9D];
	s0 =	simm.s32 @p1 $0x1  }
0x15: {  	[smem:$0x3FBA] =	sst s0;
	s0 =	simm.s32 @!p2 $0x0  }
0x16: {  	s3 =	sld [smem:$0x3FDB];
	s0 =	simm.s32 @p2 $0x1  }
0x17: {  	s4 =	simm.s32 $0x1BF5;
	[smem:$0x3FBC] =	sst s0  }
0x18: {  	s0 =	sld [smem:$0x3F9F];
	_ =	swait.ge [sflag:s4], $0x0  }
0x19: {  	s7 =	sld [smem:$0x3FA0]  }
0x1a: {  	s8 =	sadd.s32 $0xFFFFE003, lr  }
0x1b: {  	s9 =	sadd.s32 $0xFFFFFEF7, lr;
	s5 =	simm.s32 $0xFFFFFFFF;
	p2 =	slt.u32 s8, $0xFFFFF086  }
0x1c: {  	p1 =	slt.u32 s9, $0xF7A;
	s5 =	simm.s32 @!p2 $0x0  }
0x1d: {  	s5 =	simm.s32 @p1 $0x1;
	p0 =	seq.s32 s7, s2  }
0x1e: {  	s7 =	smul.u32 @!p0 $0xF7A, s2;
	p2 =	seq.s32 @!p0 s5, $0x0  }
0x1f: {  	s9 =	smul.u32 $0xF7A, s1;
	s8 =	simm.s32 @!p0 $0x1BF5;
	p2 =	por !p2, p0  }
0x20: {  	[sflag:s8] =	ssyncset.s32 @!p0 $0xFFFFF086;
	s6 =	sadd.s32 @!p0 s3, s7;
	s7 =	simm.s32 @!p0 $0x108  }
0x21: {  	s3 =	sadd.s32 s3, s9;
	s6 =	sadd.s32 @!p0 $0x88, s6;
	s7 =	simm.s32 @p2 $0x1082  }
0x22: {  	[simem:s7], [sflag:s8] =	dma.local @!p0 [hbm:s6], $0xF7A  }
0x23: {  	s9 =	sor.u32 $0xD0000000, s2;
	s6 =	simm.s32 $0x108;
	_ =	swait.ge @!p0 [sflag:s8], $0x0  }
0x24: {  	s3 =	sadd.s32 $0x88, s3;
	s6 =	simm.s32 @!p1 $0x1082;
	[sflag:s4] =	ssyncset.s32 $0xFFFFF086  }
0x25: {  	[simem:s6], [sflag:s4] =	dma.local [hbm:s3], $0xF7A  }
0x26: {  	[smem:$0x3FA0] =	sst s1;
	(tag) =	ssettag s2;
	_ =	strace s9  }
0x27: {  	s1 =	sld [smem:$0x3FB0]  }
0x28: {  	s2 =	sld [smem:$0x3FB1]  }
0x29: {  	s4 =	sld [smem:$0x3FB3]  }
0x2a: {  	p0 =	seq.s32 s5, $0x0;
	s5 =	sld [smem:$0x3FB4]  }
0x2b: {  	s6 =	sld [smem:$0x3FB5]  }
0x2c: {  	s7 =	sld [smem:$0x3FB6]  }
0x2d: {  	s3 =	simm.s32 $0x108;
	s8 =	sld [smem:$0x3FB7]  }
0x2e: {  	s3 =	simm.s32 @!p0 $0x1082;
	s9 =	sld [smem:$0x3FB8]  }
0x2f: {  	lr =	sadd.s32 s0, s3;
	s0 =	sld [smem:$0x3FAF]  }
0x30: {  	s3 =	sld [smem:$0x3FB2]  }
0x31: {  	[smem:$0x3FBB] =	sst s10  }
0x32: {  	s10 =	sld [smem:$0x3FB9];
	_ =	sdelay $0x3  }
0x33: {  	p0 =	seq.s32 s10, $0x1;
	s10 =	sld [smem:$0x3FBB];
	_ =	sdelay $0x3  }
0x34: {  	[smem:$0x3FBB] =	sst s10  }
0x35: {  	s10 =	sld [smem:$0x3FBA];
	_ =	sdelay $0x3  }
0x36: {  	p1 =	seq.s32 s10, $0x1;
	s10 =	sld [smem:$0x3FBB];
	_ =	sdelay $0x3  }
0x37: {  	[smem:$0x3FBB] =	sst s10  }
0x38: {  	s10 =	sld [smem:$0x3FBC]  }
0x39: {  	_ = 	snop;
	(pc) =	sbr.ind lr, $3  }
0x3a: {  	_ = 	snop  }
0x3b: {  	_ = 	snop  }
0x3c: {  	p2 =	seq.s32 s10, $0x1;
	s10 =	sld [smem:$0x3FBB]  }
0x3d: {  	_ =	shalt  }
0x3e: {  	_ =	shalt  }
0x3f: {  	_ =	shalt  }
0x40: {  	_ =	shalt  }
0x41: {  	_ =	shalt  }
0x42: {  	_ =	shalt  }
0x43: {  	_ =	shalt  }
0x44: {  	_ =	shalt  }
0x45: {  	_ =	shalt  }
0x46: {  	_ =	shalt  }
0x47: {  	_ =	shalt  }
0x48: {  	_ =	shalt  }
0x49: {  	_ =	shalt  }
0x4a: {  	_ =	shalt  }
0x4b: {  	_ =	shalt  }
0x4c: {  	_ =	shalt  }
0x4d: {  	_ =	shalt  }
0x4e: {  	_ =	shalt  }
0x4f: {  	_ =	shalt  }
0x50: {  	_ =	shalt  }
0x51: {  	_ =	shalt  }
0x52: {  	_ =	shalt  }
0x53: {  	_ =	shalt  }
0x54: {  	_ =	shalt  }
0x55: {  	_ =	shalt  }
0x56: {  	_ =	shalt  }
0x57: {  	_ =	shalt  }
0x58: {  	_ =	shalt  }
0x59: {  	_ =	shalt  }
0x5a: {  	_ =	shalt  }
0x5b: {  	_ =	shalt  }
0x5c: {  	_ =	shalt  }
0x5d: {  	_ =	shalt  }
0x5e: {  	_ =	shalt  }
0x5f: {  	_ =	shalt  }
0x60: {  	_ =	shalt  }
0x61: {  	_ =	shalt  }
0x62: {  	_ =	shalt  }
0x63: {  	_ =	shalt  }
0x64: {  	_ =	shalt  }
0x65: {  	_ =	shalt  }
0x66: {  	_ =	shalt  }
0x67: {  	_ =	shalt  }
0x68: {  	_ =	shalt  }
0x69: {  	_ =	shalt  }
0x6a: {  	_ =	shalt  }
0x6b: {  	_ =	shalt  }
0x6c: {  	_ =	shalt  }
0x6d: {  	_ =	shalt  }
0x6e: {  	_ =	shalt  }
0x6f: {  	_ =	shalt  }
0x70: {  	_ =	shalt  }
0x71: {  	_ =	shalt  }
0x72: {  	_ =	shalt  }
0x73: {  	_ =	shalt  }
0x74: {  	_ =	shalt  }
0x75: {  	_ =	shalt  }
0x76: {  	_ =	shalt  }
0x77: {  	_ =	shalt  }
0x78: {  	_ =	shalt  }
0x79: {  	_ =	shalt  }
0x7a: {  	_ =	shalt  }
0x7b: {  	_ =	shalt  }
0x7c: {  	_ =	shalt  }
0x7d: {  	_ =	shalt  }
0x7e: {  	_ =	shalt  }
0x7f: {  	_ =	shalt  }
0x80: {  	_ =	shalt  }
0x81: {  	_ =	shalt  }
0x82: {  	_ =	shalt  }
0x83: {  	_ =	shalt  }
0x84: {  	_ =	shalt  }
0x85: {  	_ =	shalt  }
0x86: {  	_ =	shalt  }
0x87: {  	_ =	shalt  }
.Lfunc_end0:
.L_simem_size_0:
called_computation_lowered:
.L_overlay_start_0:
0x88: {  	s2 =	sld [smem:$0x3FD9]  }
0x89: {  	s3 =	sld [smem:$0x3FFE];
	_ =	sdelay $0x1  }
0x8a: {  	s1 =	srdreg.scid  }
0x8b: {  	s0 =	sand.u32 $0x1, s1  }
0x8c: {  	s17 =	sshll.u32 s0, $0xA;
	s2 =	sadd.s32 s3, s2  }
0x8d: {  	s2 =	sadd.s32 s2, s17  }
0x8e: {  	[smem:$0x3FC7] =	sst s2  }
0x8f: {  	_ = 	snop  }
0x90: {  	s2 =	sld [smem:$0x3FD0];
	(tm) =	ssettm $0x1  }
0x91: {  	s18 =	sld [smem:$0x3FFB];
	_ =	sdelay $0x3  }
0x92: {  	_ =	strace s18  }
0x93: {  	s3 =	sld [smem:$0x3FFC];
	_ =	sdelay $0x3  }
0x94: {  	_ =	strace s3  }
0x95: {  	s3 =	sld [smem:$0x3FFD];
	_ =	sdelay $0x3  }
0x96: {  	_ =	strace s3  }
0x97: {  	_ =	strace $0x8FFFFFFF  }
0x98: {  	s19 =	sld [smem:$0x3FDB];
	_ =	sdelay $0x1  }
0x99: {  	s4 =	simm.s32 $_scs_section_size  }
0x9a: {  	s5 =	simm.s32 $_size__tile_overlayer_lowered;
	s6 =	simm.s32 $_tile_overlayer_lowered  }
0x9b: {  	s22 =	simm.s32 $0x1BFF;
	s21 =	sshll.u32 s6, $0x1;
	s3 =	sadd.s32 s4, s19  }
0x9c: {  	s7 =	simm.s32 $0x0;
	s20 =	sshll.u32 s5, $0x1;
	s5 =	sadd.s32 s21, s3  }
0x9d: {  	[timem:s7], [sflag:s22] =	dma.local [hbm:s5], s20  }
0x9e: {  	_ =	swait.ge [sflag:s22], s20  }
0x9f: {  	s4 =	ssub.s32 $0x0, s20;
	[sflag:s22] =	ssyncset.done $0x0  }
0xa0: {  	[sflag:s22] =	ssyncadd.s32 s4;
	_ =	sdelay $0x1  }
0xa1: {  	s23 =	simm.s32 $0x1B8B  }
0xa2: {  	_ =	swait.ge [sflag:s23], $0x1  }
0xa3: {  	[sflag:s23] =	ssyncset.done $0x0  }
0xa4: {  	s25 =	simm.s32 $0x1B8E;
	s24 =	sld [smem:$0x3FFE];
	[sflag:s23] =	ssyncadd.s32 $0xFFFFFFFF  }
0xa5: {  	s26 =	simm.s32 $execute0_lowered;
	[smem:$0x3FD2] =	sst s25  }
0xa6: {  	s5 =	sshll.u32 s26, $0x1;
	_ =	strace $0x80000046;
	[dreg:$0x1] =	wrdreg $0xFFFFFFFF  }
0xa7: {  	s28 =	simm.s32 $_size_execute0_lowered;
	s3 =	sadd.s32 s3, s5;
	[dreg:$0x0] =	wrdreg $0x0  }
0xa8: {  	s5 =	sshll.u32 s28, $0x1;
	[dreg:$0x2] =	wrdreg s3  }
0xa9: {  	[dreg:$0x3] =	wrdreg s5  }
0xaa: {  	[dreg:$0x4] =	wrdreg $0xC0  }
0xab: {  	_ =	task [dreg:s7], $0x5FFFF  }
0xac: {  	[dreg:$0x1] =	wrdreg $0xFFFFFFFF  }
0xad: {  	[dreg:$0x0] =	wrdreg $0x60  }
0xae: {  	[dreg:$0x2] =	wrdreg s24  }
0xaf: {  	[dreg:$0x3] =	wrdreg s2  }
0xb0: {  	[dreg:$0x4] =	wrdreg $0x9  }
0xb1: {  	_ =	task.clear_ibuf [dreg:s7], $0x5FFFF;
	_ =	strace $0x90000046  }
0xb2: {  	s29 =	simm.s32 $0x9;
	_ =	strace $0x80000048  }
0xb3: {  	_ =	swait.ge [sflag:s29], $0x1  }
0xb4: {  	[sflag:s29] =	ssyncadd.s32 $0xFFFFFFFF  }
0xb5: {  	_ =	strace $0x90000048  }
0xb6: {  	_ =	sfence  }
0xb7: {  	s30 =	sld [smem:$0x0];
	_ =	sdelay $0x2  }
0xb8: {  	s31 =	sshll.u32 s1, $0xD;
	s1 =	sshrl.u32 s1, $0x2  }
0xb9: {  	s3 =	sand.u32 $0x4000, s31;
	s1 =	sadd.s32 s1, s30  }
0xba: {  	s0 =	sor.u32 s3, s0;
	s1 =	sshll.u32 s1, $0x11  }
0xbb: {  	s0 =	sor.u32 s1, s0  }
0xbc: {  	s0 =	sadd.s32 $0x8F2B, s0  }
0xbd: {  	[sflag:s0] =	ssyncadd.remote.s32 $0x1  }
0xbe: {  	_ =	sfence.sel $0xFFFF  }
0xbf: {  	[dreg:$0x0] =	wrdreg $0xFFFFFFFF;
	(pc) =	sbr.abs _section_cstart, $3  }
0xc0: {  	[dreg:$0x1] =	wrdreg $0xFFFFFFFF  }
0xc1: {  	_ =	task.clear_ibuf [dreg:s7], $0x2FFFF;
	_ =	strace $0x9FFFFFFF  }
0xc2: {  	(tm) =	ssettm $0x7FFFFFFF  }
0xc3: {  	_ =	shalt  }
tec
execute0_lowered:
.L_overlay_start_1:
0x0: {  	(tag) =	ssettag $0x1  }
0x1: {  	v34 =	vlaneseq.u32;
	v1 =	vimm.f32 $3.100000000e+01;
	v2 =	vimm.f32 $3.000000000e+01  }
0x2: {  	v3 =	vimm.f32 $2.900000000e+01;
	v4 =	vimm.f32 $2.800000000e+01;
	v5 =	vimm.f32 $2.700000000e+01  }
0x3: {  	v6 =	vimm.f32 $2.600000000e+01;
	v7 =	vimm.f32 $2.500000000e+01;
	v8 =	vimm.f32 $2.400000000e+01  }
0x4: {  	v9 =	vimm.f32 $2.300000000e+01;
	v10 =	vimm.f32 $2.200000000e+01;
	v11 =	vimm.f32 $2.100000000e+01  }
0x5: {  	v12 =	vimm.f32 $2.000000000e+01;
	v13 =	vimm.f32 $1.900000000e+01;
	v14 =	vimm.f32 $1.800000000e+01  }
0x6: {  	v15 =	vimm.f32 $1.700000000e+01;
	v16 =	vimm.f32 $1.600000000e+01;
	v17 =	vimm.f32 $1.500000000e+01  }
0x7: {  	v18 =	vimm.f32 $1.400000000e+01;
	v19 =	vimm.f32 $1.300000000e+01;
	v20 =	vimm.f32 $1.200000000e+01  }
0x8: {  	v21 =	vimm.f32 $1.100000000e+01;
	v22 =	vimm.f32 $1.000000000e+01;
	v23 =	vimm.f32 $9.000000000e+00  }
0x9: {  	s1 =	srdreg.scid;
	v24 =	vimm.f32 $8.000000000e+00;
	v25 =	vimm.f32 $7.000000000e+00;
	v26 =	vimm.f32 $6.000000000e+00  }
0xa: {  	s0 =	stileid.u32;
	s3 =	rddreg [dreg:$0x0];
	v27 =	vimm.f32 $5.000000000e+00;
	v28 =	vimm.f32 $4.000000000e+00;
	v29 =	vimm.f32 $3.000000000e+00  }
0xb: {  	s5 =	rddreg [dreg:$0x1];
	v30 =	vimm.f32 $2.000000000e+00;
	v31 =	vimm.f32 $1.000000000e+00;
	s2 =	simm.s32 $0x0;
	s8 =	simm.s32 $0x600;
	v0 =	vmul.u32 $0x5, v34  }
0xc: {  	v32 =	vimm.f32 $0.0e+00;
	v33 =	vimm.s32 $0x0;
	v35 =	vimm.f32 $3.200000000e+01;
	s4 =	sand.u32 $0x1, s1;
	s29 =	sshll.u32 s0, $0x1;
	s1 =	rddreg [dreg:$0x2]  }
0xd: {  	s9 =	simm.s32 $0x0;
	v34 =	vor.u32 $0x100, v34;
	[smem:$0x7FF] =	sst s2;
	s6 =	sor.u32 s4, s29;
	v36 =	vadd.s32 $0x1, v0;
	v37 =	vadd.s32 $0x2, v0  }
0xe: {  	s4 =	ssub.s32 $0x2, s4;
	_ =	strace $0x80000047;
	s7 =	smul.u32 $0x78, s6;
	v38 =	vadd.s32 $0x3, v0;
	v39 =	vadd.s32 $0x4, v0;
	v40 =	vadd.s32 $0xA0, v0  }
0xf: {  	s30 =	sshrl.u32 s4, $0x1;
	s31 =	sshll.u32 s6, $0x3;
	v41 =	vadd.s32 $0xA1, v0;
	v42 =	vadd.s32 $0xA2, v0;
	v43 =	vadd.s32 $0xA3, v0;
	s6 =	simm.s32 $0x1  }
0x10: {  	v44 =	vadd.s32 $0xA4, v0;
	v45 =	vadd.s32 $0x140, v0;
	v46 =	vadd.s32 $0x141, v0;
	s3 =	sadd.s32 s7, s3;
	s7 =	ssub.s32 s4, s30;
	s4 =	sadd.s32 s5, s31  }
0x11: {  	v47 =	vadd.s32 $0x142, v0;
	v48 =	vadd.s32 $0x143, v0;
	v49 =	vadd.s32 $0x144, v0;
	s3 =	sadd.s32 $0x400, s3;
	s5 =	smax.u32 s7, $0x1;
	s7 =	simm.s32 $0x400  }
.LBB2_1:
0x12: {  	[tilespmem:s2], [sflag:$0x1] =	stream.linear.gather [hbm4b:s3+s2], $0x3C0, $0x38;
	[tilespmem:$0x680] =	vst v63  }
0x13: {  	_ =	swait.ge [sflag:s6], $0x3C0  }
0x14: {  	[sflag:s6] =	ssyncset.done $0x0  }
0x15: {  	s10 =	simm.s32 $0x600;
	s11 =	simm.s32 $0x0;
	[sflag:s6] =	ssyncadd.s32 $0xFFFFFC40  }
.LBB2_2:
0x16: {  	[tilespmem:$0x400] =	vst v1  }
0x17: {  	[tilespmem:$0x410] =	vst v2  }
0x18: {  	[tilespmem:$0x420] =	vst v3  }
0x19: {  	[tilespmem:$0x430] =	vst v4  }
0x1a: {  	[tilespmem:$0x440] =	vst v5  }
0x1b: {  	[tilespmem:$0x450] =	vst v6  }
0x1c: {  	[tilespmem:$0x460] =	vst v7  }
0x1d: {  	[tilespmem:$0x470] =	vst v8  }
0x1e: {  	[tilespmem:$0x480] =	vst v9  }
0x1f: {  	[tilespmem:$0x490] =	vst v10  }
0x20: {  	[tilespmem:$0x4A0] =	vst v11  }
0x21: {  	[tilespmem:$0x4B0] =	vst v12  }
0x22: {  	[tilespmem:$0x4C0] =	vst v13  }
0x23: {  	[tilespmem:$0x4D0] =	vst v14  }
0x24: {  	[tilespmem:$0x4E0] =	vst v15  }
0x25: {  	[tilespmem:$0x4F0] =	vst v16  }
0x26: {  	[tilespmem:$0x500] =	vst v17  }
0x27: {  	[tilespmem:$0x510] =	vst v18  }
0x28: {  	[tilespmem:$0x520] =	vst v19  }
0x29: {  	[tilespmem:$0x530] =	vst v20  }
0x2a: {  	[tilespmem:$0x540] =	vst v21  }
0x2b: {  	[tilespmem:$0x550] =	vst v22  }
0x2c: {  	[tilespmem:$0x560] =	vst v23  }
0x2d: {  	s12 =	sshrl.u32 s11, $0x1;
	s13 =	sand.u32 $0x1, s11;
	[tilespmem:$0x570] =	vst v24  }
0x2e: {  	[tilespmem:$0x580] =	vst v25;
	s12 =	smul.u32 $0x1E0, s12;
	p0 =	seq.s32 s13, $0x1;
	s13 =	simm.s32 $0x50  }
0x2f: {  	[tilespmem:$0x590] =	vst v26;
	s13 =	simm.s32 @!p0 $0x0  }
0x30: {  	[tilespmem:$0x5A0] =	vst v27;
	s12 =	sadd.s32 s13, s12  }
0x31: {  	[tilespmem:$0x5B0] =	vst v28;
	v50 =	vadd.s32 s12, v0  }
0x32: {  	[tilespmem:$0x5C0] =	vst v29  }
0x33: {  	[tilespmem:$0x5D0] =	vst v30  }
0x34: {  	[tilespmem:$0x5E0] =	vst v31  }
0x35: {  	[tilespmem:$0x5F0] =	vst v32  }
0x36: {  	v50 =	vld.idx.msk [tilespmem:v50+s2+$0x0], $0xffff;
	_ =	sdelay $0x4  }
0x37: {  	v50 =	vmul.f32 $8.000000000e+00, v50;
	_ =	sdelay $0x1  }
0x38: {  	v50 =	vmax.f32 v50, $-1.600000000e+01  }
0x39: {  	v50 =	vmin.f32 v50, $1.500000000e+01  }
0x3a: {  	v51 =	vtrunc.f32 v50  }
0x3b: {  	v52 =	vcvt.f32.s32 v51;
	vm0 =	vgt.f32 v50, v51  }
0x3c: {  	v50 =	vsel vm0, $0x1, v33  }
0x3d: {  	v50 =	vadd.s32 v52, v50  }
0x3e: {  	v50 =	vshll.u32 v50, $0x4  }
0x3f: {  	v50 =	vadd.s32 v34, v50  }
0x40: {  	v58 =	vadd.s32 s12, v36;
	_ =	sdelay $0x3  }
0x41: {  	[tilespmem:v50+s7+$0x0] =	vst.idx.add.f32.msk $0xffff, v35  }
0x42: {  	v50 =	vld.idx.msk [tilespmem:v58+s2+$0x0], $0xffff;
	_ =	sdelay $0x4  }
0x43: {  	v50 =	vmul.f32 $8.000000000e+00, v50;
	_ =	sdelay $0x1  }
0x44: {  	v50 =	vmax.f32 v50, $-1.600000000e+01  }
0x45: {  	v50 =	vmin.f32 v50, $1.500000000e+01  }
0x46: {  	v59 =	vtrunc.f32 v50  }
0x47: {  	v60 =	vcvt.f32.s32 v59;
	vm14 =	vgt.f32 v50, v59  }
0x48: {  	v50 =	vsel vm14, $0x1, v33  }
0x49: {  	v50 =	vadd.s32 v60, v50  }
0x4a: {  	v50 =	vshll.u32 v50, $0x4  }
0x4b: {  	v50 =	vadd.s32 v34, v50  }
0x4c: {  	v61 =	vadd.s32 s12, v37;
	_ =	sdelay $0x3  }
0x4d: {  	[tilespmem:v50+s7+$0x0] =	vst.idx.add.f32.msk $0xffff, v35  }
0x4e: {  	v50 =	vld.idx.msk [tilespmem:v61+s2+$0x0], $0xffff;
	_ =	sdelay $0x4  }
0x4f: {  	v50 =	vmul.f32 $8.000000000e+00, v50;
	_ =	sdelay $0x1  }
0x50: {  	v50 =	vmax.f32 v50, $-1.600000000e+01  }
0x51: {  	v50 =	vmin.f32 v50, $1.500000000e+01  }
0x52: {  	v62 =	vtrunc.f32 v50  }
0x53: {  	v63 =	vcvt.f32.s32 v62;
	vm15 =	vgt.f32 v50, v62  }
0x54: {  	v50 =	vsel vm15, $0x1, v33  }
0x55: {  	v50 =	vadd.s32 v63, v50  }
0x56: {  	v50 =	vshll.u32 v50, $0x4  }
0x57: {  	v50 =	vadd.s32 v34, v50  }
0x58: {  	v55 =	vadd.s32 s12, v38;
	_ =	sdelay $0x3  }
0x59: {  	[tilespmem:v50+s7+$0x0] =	vst.idx.add.f32.msk $0xffff, v35  }
0x5a: {  	v50 =	vld.idx.msk [tilespmem:v55+s2+$0x0], $0xffff;
	_ =	sdelay $0x4  }
0x5b: {  	v50 =	vmul.f32 $8.000000000e+00, v50;
	_ =	sdelay $0x1  }
0x5c: {  	v50 =	vmax.f32 v50, $-1.600000000e+01  }
0x5d: {  	v50 =	vmin.f32 v50, $1.500000000e+01  }
0x5e: {  	v56 =	vtrunc.f32 v50  }
0x5f: {  	v57 =	vcvt.f32.s32 v56;
	vm4 =	vgt.f32 v50, v56  }
0x60: {  	v50 =	vsel vm4, $0x1, v33  }
0x61: {  	v50 =	vadd.s32 v57, v50  }
0x62: {  	v50 =	vshll.u32 v50, $0x4  }
0x63: {  	v50 =	vadd.s32 v34, v50  }
0x64: {  	v58 =	vadd.s32 s12, v39;
	_ =	sdelay $0x3  }
0x65: {  	[tilespmem:v50+s7+$0x0] =	vst.idx.add.f32.msk $0xffff, v35  }
0x66: {  	v50 =	vld.idx.msk [tilespmem:v58+s2+$0x0], $0xffff;
	_ =	sdelay $0x4  }
0x67: {  	v50 =	vmul.f32 $8.000000000e+00, v50;
	_ =	sdelay $0x1  }
0x68: {  	v50 =	vmax.f32 v50, $-1.600000000e+01  }
0x69: {  	v50 =	vmin.f32 v50, $1.500000000e+01  }
0x6a: {  	v59 =	vtrunc.f32 v50  }
0x6b: {  	v60 =	vcvt.f32.s32 v59;
	vm5 =	vgt.f32 v50, v59  }
0x6c: {  	v50 =	vsel vm5, $0x1, v33  }
0x6d: {  	v50 =	vadd.s32 v60, v50  }
0x6e: {  	v50 =	vshll.u32 v50, $0x4  }
0x6f: {  	v50 =	vadd.s32 v34, v50  }
0x70: {  	v61 =	vadd.s32 s12, v40;
	_ =	sdelay $0x3  }
0x71: {  	[tilespmem:v50+s7+$0x0] =	vst.idx.add.f32.msk $0xffff, v35  }
0x72: {  	v50 =	vld.idx.msk [tilespmem:v61+s2+$0x0], $0xffff;
	_ =	sdelay $0x4  }
0x73: {  	v50 =	vmul.f32 $8.000000000e+00, v50;
	_ =	sdelay $0x1  }
0x74: {  	v50 =	vmax.f32 v50, $-1.600000000e+01  }
0x75: {  	v50 =	vmin.f32 v50, $1.500000000e+01  }
0x76: {  	v62 =	vtrunc.f32 v50  }
0x77: {  	v63 =	vcvt.f32.s32 v62;
	vm6 =	vgt.f32 v50, v62  }
0x78: {  	v50 =	vsel vm6, $0x1, v33  }
0x79: {  	v50 =	vadd.s32 v63, v50  }
0x7a: {  	v50 =	vshll.u32 v50, $0x4  }
0x7b: {  	v50 =	vadd.s32 v34, v50  }
0x7c: {  	v55 =	vadd.s32 s12, v41;
	_ =	sdelay $0x3  }
0x7d: {  	[tilespmem:v50+s7+$0x0] =	vst.idx.add.f32.msk $0xffff, v35  }
0x7e: {  	v50 =	vld.idx.msk [tilespmem:v55+s2+$0x0], $0xffff;
	_ =	sdelay $0x4  }
0x7f: {  	v50 =	vmul.f32 $8.000000000e+00, v50;
	_ =	sdelay $0x1  }
0x80: {  	v50 =	vmax.f32 v50, $-1.600000000e+01  }
0x81: {  	v50 =	vmin.f32 v50, $1.500000000e+01  }
0x82: {  	v56 =	vtrunc.f32 v50  }
0x83: {  	v57 =	vcvt.f32.s32 v56;
	vm7 =	vgt.f32 v50, v56  }
0x84: {  	v50 =	vsel vm7, $0x1, v33  }
0x85: {  	v50 =	vadd.s32 v57, v50  }
0x86: {  	v50 =	vshll.u32 v50, $0x4  }
0x87: {  	v50 =	vadd.s32 v34, v50  }
0x88: {  	v58 =	vadd.s32 s12, v42;
	_ =	sdelay $0x3  }
0x89: {  	[tilespmem:v50+s7+$0x0] =	vst.idx.add.f32.msk $0xffff, v35  }
0x8a: {  	v50 =	vld.idx.msk [tilespmem:v58+s2+$0x0], $0xffff;
	_ =	sdelay $0x4  }
0x8b: {  	v50 =	vmul.f32 $8.000000000e+00, v50;
	_ =	sdelay $0x1  }
0x8c: {  	v50 =	vmax.f32 v50, $-1.600000000e+01  }
0x8d: {  	v50 =	vmin.f32 v50, $1.500000000e+01  }
0x8e: {  	v59 =	vtrunc.f32 v50  }
0x8f: {  	v60 =	vcvt.f32.s32 v59;
	vm8 =	vgt.f32 v50, v59  }
0x90: {  	v50 =	vsel vm8, $0x1, v33  }
0x91: {  	v50 =	vadd.s32 v60, v50  }
0x92: {  	v50 =	vshll.u32 v50, $0x4  }
0x93: {  	v50 =	vadd.s32 v34, v50  }
0x94: {  	v61 =	vadd.s32 s12, v43;
	_ =	sdelay $0x3  }
0x95: {  	[tilespmem:v50+s7+$0x0] =	vst.idx.add.f32.msk $0xffff, v35  }
0x96: {  	v50 =	vld.idx.msk [tilespmem:v61+s2+$0x0], $0xffff;
	_ =	sdelay $0x4  }
0x97: {  	v50 =	vmul.f32 $8.000000000e+00, v50;
	_ =	sdelay $0x1  }
0x98: {  	v50 =	vmax.f32 v50, $-1.600000000e+01  }
0x99: {  	v50 =	vmin.f32 v50, $1.500000000e+01  }
0x9a: {  	v62 =	vtrunc.f32 v50  }
0x9b: {  	v63 =	vcvt.f32.s32 v62;
	vm9 =	vgt.f32 v50, v62  }
0x9c: {  	v50 =	vsel vm9, $0x1, v33  }
0x9d: {  	v50 =	vadd.s32 v63, v50  }
0x9e: {  	v50 =	vshll.u32 v50, $0x4  }
0x9f: {  	v50 =	vadd.s32 v34, v50  }
0xa0: {  	v55 =	vadd.s32 s12, v44;
	_ =	sdelay $0x3  }
0xa1: {  	[tilespmem:v50+s7+$0x0] =	vst.idx.add.f32.msk $0xffff, v35  }
0xa2: {  	v50 =	vld.idx.msk [tilespmem:v55+s2+$0x0], $0xffff;
	_ =	sdelay $0x4  }
0xa3: {  	v50 =	vmul.f32 $8.000000000e+00, v50;
	_ =	sdelay $0x1  }
0xa4: {  	v50 =	vmax.f32 v50, $-1.600000000e+01  }
0xa5: {  	v50 =	vmin.f32 v50, $1.500000000e+01  }
0xa6: {  	v56 =	vtrunc.f32 v50  }
0xa7: {  	v57 =	vcvt.f32.s32 v56;
	vm10 =	vgt.f32 v50, v56  }
0xa8: {  	v50 =	vsel vm10, $0x1, v33  }
0xa9: {  	v50 =	vadd.s32 v57, v50  }
0xaa: {  	v50 =	vshll.u32 v50, $0x4  }
0xab: {  	v50 =	vadd.s32 v34, v50  }
0xac: {  	v58 =	vadd.s32 s12, v45;
	_ =	sdelay $0x3  }
0xad: {  	[tilespmem:v50+s7+$0x0] =	vst.idx.add.f32.msk $0xffff, v35  }
0xae: {  	v50 =	vld.idx.msk [tilespmem:v58+s2+$0x0], $0xffff;
	_ =	sdelay $0x4  }
0xaf: {  	v50 =	vmul.f32 $8.000000000e+00, v50;
	_ =	sdelay $0x1  }
0xb0: {  	v50 =	vmax.f32 v50, $-1.600000000e+01  }
0xb1: {  	v50 =	vmin.f32 v50, $1.500000000e+01  }
0xb2: {  	v59 =	vtrunc.f32 v50  }
0xb3: {  	v60 =	vcvt.f32.s32 v59;
	vm11 =	vgt.f32 v50, v59  }
0xb4: {  	v50 =	vsel vm11, $0x1, v33  }
0xb5: {  	v50 =	vadd.s32 v60, v50  }
0xb6: {  	v50 =	vshll.u32 v50, $0x4  }
0xb7: {  	v50 =	vadd.s32 v34, v50  }
0xb8: {  	v61 =	vadd.s32 s12, v46;
	_ =	sdelay $0x3  }
0xb9: {  	[tilespmem:v50+s7+$0x0] =	vst.idx.add.f32.msk $0xffff, v35  }
0xba: {  	v50 =	vld.idx.msk [tilespmem:v61+s2+$0x0], $0xffff;
	_ =	sdelay $0x4  }
0xbb: {  	v50 =	vmul.f32 $8.000000000e+00, v50;
	_ =	sdelay $0x1  }
0xbc: {  	v50 =	vmax.f32 v50, $-1.600000000e+01  }
0xbd: {  	v50 =	vmin.f32 v50, $1.500000000e+01  }
0xbe: {  	v62 =	vtrunc.f32 v50  }
0xbf: {  	v63 =	vcvt.f32.s32 v62;
	vm12 =	vgt.f32 v50, v62  }
0xc0: {  	v50 =	vsel vm12, $0x1, v33  }
0xc1: {  	v50 =	vadd.s32 v63, v50  }
0xc2: {  	v50 =	vshll.u32 v50, $0x4  }
0xc3: {  	v50 =	vadd.s32 v34, v50  }
0xc4: {  	v56 =	vadd.s32 s12, v47;
	_ =	sdelay $0x3  }
0xc5: {  	[tilespmem:v50+s7+$0x0] =	vst.idx.add.f32.msk $0xffff, v35  }
0xc6: {  	v50 =	vld.idx.msk [tilespmem:v56+s2+$0x0], $0xffff;
	_ =	sdelay $0x4  }
0xc7: {  	v50 =	vmul.f32 $8.000000000e+00, v50;
	_ =	sdelay $0x1  }
0xc8: {  	v50 =	vmax.f32 v50, $-1.600000000e+01  }
0xc9: {  	v50 =	vmin.f32 v50, $1.500000000e+01  }
0xca: {  	v57 =	vtrunc.f32 v50  }
0xcb: {  	v58 =	vcvt.f32.s32 v57;
	vm13 =	vgt.f32 v50, v57  }
0xcc: {  	v50 =	vsel vm13, $0x1, v33  }
0xcd: {  	v50 =	vadd.s32 v58, v50  }
0xce: {  	v50 =	vshll.u32 v50, $0x4  }
0xcf: {  	v50 =	vadd.s32 v34, v50  }
0xd0: {  	v59 =	vadd.s32 s12, v48;
	_ =	sdelay $0x3  }
0xd1: {  	[tilespmem:v50+s7+$0x0] =	vst.idx.add.f32.msk $0xffff, v35  }
0xd2: {  	v50 =	vld.idx.msk [tilespmem:v59+s2+$0x0], $0xffff;
	_ =	sdelay $0x4  }
0xd3: {  	v50 =	vmul.f32 $8.000000000e+00, v50;
	_ =	sdelay $0x1  }
0xd4: {  	v50 =	vmax.f32 v50, $-1.600000000e+01  }
0xd5: {  	v50 =	vmin.f32 v50, $1.500000000e+01  }
0xd6: {  	v60 =	vtrunc.f32 v50  }
0xd7: {  	v61 =	vcvt.f32.s32 v60;
	vm14 =	vgt.f32 v50, v60  }
0xd8: {  	v50 =	vsel vm14, $0x1, v33  }
0xd9: {  	v50 =	vadd.s32 v61, v50  }
0xda: {  	v50 =	vshll.u32 v50, $0x4  }
0xdb: {  	v50 =	vadd.s32 v34, v50  }
0xdc: {  	v62 =	vadd.s32 s12, v49;
	_ =	sdelay $0x3  }
0xdd: {  	[tilespmem:v50+s7+$0x0] =	vst.idx.add.f32.msk $0xffff, v35  }
0xde: {  	v50 =	vld.idx.msk [tilespmem:v62+s2+$0x0], $0xffff;
	_ =	sdelay $0x4  }
0xdf: {  	v50 =	vmul.f32 $8.000000000e+00, v50;
	_ =	sdelay $0x1  }
0xe0: {  	v50 =	vmax.f32 v50, $-1.600000000e+01  }
0xe1: {  	v50 =	vmin.f32 v50, $1.500000000e+01  }
0xe2: {  	v63 =	vtrunc.f32 v50  }
0xe3: {  	v56 =	vcvt.f32.s32 v63;
	vm15 =	vgt.f32 v50, v63  }
0xe4: {  	v50 =	vsel vm15, $0x1, v33  }
0xe5: {  	v50 =	vadd.s32 v56, v50  }
0xe6: {  	v50 =	vshll.u32 v50, $0x4  }
0xe7: {  	v50 =	vadd.s32 v34, v50;
	_ =	sdelay $0x4  }
0xe8: {  	[tilespmem:v50+s7+$0x0] =	vst.idx.add.f32.msk $0xffff, v35  }
0xe9: {  	v50 =	vld [tilespmem:$0x400]  }
0xea: {  	v57 =	vld [tilespmem:$0x410]  }
0xeb: {  	v58 =	vld [tilespmem:$0x420]  }
0xec: {  	v53 =	vld [tilespmem:$0x430]  }
0xed: {  	v54 =	vld [tilespmem:$0x440]  }
0xee: {  	v55 =	vld [tilespmem:$0x450]  }
0xef: {  	v59 =	vld [tilespmem:$0x460];
	v50 =	vmax.f32 v50, v57  }
0xf0: {  	v60 =	vld [tilespmem:$0x470];
	v50 =	vmax.f32 v50, v58  }
0xf1: {  	v61 =	vld [tilespmem:$0x480];
	v50 =	vmax.f32 v50, v53  }
0xf2: {  	v62 =	vld [tilespmem:$0x490];
	v50 =	vmax.f32 v50, v54  }
0xf3: {  	v63 =	vld [tilespmem:$0x4A0];
	v50 =	vmax.f32 v50, v55  }
0xf4: {  	v57 =	vld [tilespmem:$0x4B0];
	v50 =	vmax.f32 v50, v59  }
0xf5: {  	v58 =	vld [tilespmem:$0x4C0];
	v50 =	vmax.f32 v50, v60  }
0xf6: {  	v59 =	vld [tilespmem:$0x4D0];
	v50 =	vmax.f32 v50, v61  }
0xf7: {  	v60 =	vld [tilespmem:$0x4E0];
	v50 =	vmax.f32 v50, v62  }
0xf8: {  	v61 =	vld [tilespmem:$0x4F0];
	v50 =	vmax.f32 v50, v63  }
0xf9: {  	v62 =	vld [tilespmem:$0x500];
	v50 =	vmax.f32 v50, v57  }
0xfa: {  	v63 =	vld [tilespmem:$0x510];
	v50 =	vmax.f32 v50, v58  }
0xfb: {  	v57 =	vld [tilespmem:$0x520];
	v50 =	vmax.f32 v50, v59  }
0xfc: {  	v58 =	vld [tilespmem:$0x530];
	v50 =	vmax.f32 v50, v60  }
0xfd: {  	v59 =	vld [tilespmem:$0x540];
	v50 =	vmax.f32 v50, v61  }
0xfe: {  	v60 =	vld [tilespmem:$0x550];
	v50 =	vmax.f32 v50, v62  }
0xff: {  	v61 =	vld [tilespmem:$0x560];
	v50 =	vmax.f32 v50, v63  }
0x100: {  	v62 =	vld [tilespmem:$0x570];
	v50 =	vmax.f32 v50, v57  }
0x101: {  	v63 =	vld [tilespmem:$0x580];
	v50 =	vmax.f32 v50, v58  }
0x102: {  	v57 =	vld [tilespmem:$0x590];
	v50 =	vmax.f32 v50, v59  }
0x103: {  	v58 =	vld [tilespmem:$0x5A0];
	v50 =	vmax.f32 v50, v60  }
0x104: {  	v59 =	vld [tilespmem:$0x5B0];
	v50 =	vmax.f32 v50, v61  }
0x105: {  	v60 =	vld [tilespmem:$0x5C0];
	v50 =	vmax.f32 v50, v62  }
0x106: {  	v61 =	vld [tilespmem:$0x5D0];
	v50 =	vmax.f32 v50, v63  }
0x107: {  	v62 =	vld [tilespmem:$0x5E0];
	v50 =	vmax.f32 v50, v57  }
0x108: {  	v63 =	vld [tilespmem:$0x5F0];
	v50 =	vmax.f32 v50, v58  }
0x109: {  	v50 =	vmax.f32 v50, v59  }
0x10a: {  	v50 =	vmax.f32 v50, v60  }
0x10b: {  	v50 =	vmax.f32 v50, v61  }
0x10c: {  	v50 =	vmax.f32 v50, v62  }
0x10d: {  	v50 =	vmax.f32 v50, v63  }
0x10e: {  	v50 =	vtrunc.f32 v50  }
0x10f: {  	p0 =	sne.s32 s11, $0x3;
	v50 =	vcvt.f32.s32 v50  }
.Ltmp0:
0x110: {  	_ = 	snop;
	(pc) =	sbr.rel @p0 .LBB2_2-.Ltmp0, $3  }
0x111: {  	v50 =	vandn.u32 $0x1F, v50  }
0x112: {  	v50 =	vcvt.s32.f32 v50;
	_ =	sdelay $0x1  }
0x113: {  	s11 =	sadd.s32 $0x1, s11;
	[tilespmem:s10+$0x0] =	vst v50;
	s10 =	sadd.s32 $0x10, s10  }
0x114: {  	s9 =	sadd.s32 $0x1, s9  }
0x115: {  	p0 =	sne.s32 s9, s5  }
.Ltmp1:
0x116: {  	_ = 	snop;
	(pc) =	sbr.rel @p0 .LBB2_1-.Ltmp1, $4  }
0x117: {  	[hbm4b:s4+s2] =	stream.linear.scatter [tilespmem:s8], [sflag:$0x1], $0x40, $0x38;
	[tilespmem:$0x680] =	vst v63  }
0x118: {  	_ =	swait.ge [sflag:s6], $0x40  }
0x119: {  	[sflag:s6] =	ssyncset.done $0x0  }
0x11a: {  	[sflag:s6] =	ssyncadd.s32 $0xFFFFFFC0  }
0x11b: {  	_ =	sfence.sel $0x180000  }
0x11c: {  	[bflag:$0x0] =	sbarrier.arrive $0xFFFF  }
0x11d: {  	p0 =	sne.s32 s0, $0x0;
	_ =	strace $0x90000047  }
0x11e: {  	s0 =	sadd.s32 @!p0 $0x100000, s1;
	[bflag:$0x2] =	sbarrier.arrive $0xFFFF  }
0x11f: {  	[sflag:s0] =	ssyncadd.tile.s32 @!p0 $0x1;
	_ =	shalt  }
.Lfunc_end2:
_tile_overlayer_lowered:
.L_overlay_start_2:
0x120: {  	(tag) =	ssettag $0x2  }
0x121: {  	s0 =	rddreg [dreg:$0x0];
	s2 =	stileid.u32  }
0x122: {  	s1 =	rddreg [dreg:$0x1];
	p0 =	sne.s32 s2, $0x0  }
0x123: {  	s3 =	rddreg [dreg:$0x2];
	[bflag:$0x3] =	sbarrier.arrive $0xFFFF;
	s2 =	simm.s32 @!p0 $0x1C01  }
0x124: {  	[timem:s3], [sflag:s2] =	dma.local @!p0 [hbm:s0], s1  }
0x125: {  	s0 =	simm.s32 @!p0 $0x1  }
0x126: {  	_ =	swait.ge @!p0 [sflag:s0], s1  }
0x127: {  	s1 =	ssub.s32 @!p0 $0x0, s1;
	[sflag:s0] =	ssyncset.done @!p0 $0x0  }
0x128: {  	[sflag:s0] =	ssyncadd.s32 @!p0 s1  }
0x129: {  	[bflag:$0x3] =	sbarrier.arrive $0xFFFF  }
0x12a: {  	_ =	shalt  }

</sc_bundles>
